<compile_context>
chip_gen: v7x
topology: tpu7x:2x2x1
jax: 0.10.2.dev20260603
libtpu: 0.0.44.dev20260713+nightly
codegen_flags: <defaults>
</compile_context>

<pallas_src>
import jax
import jax.numpy as jnp
from jax import lax
from jax.experimental import pallas as pl
from jax.experimental.pallas import tpu as pltpu
from jax.experimental.pallas import tpu_sc as plsc

N = 320000
D = 128
S = 10000
CHUNK = 128
NC = 2
NS = 16
NCHUNKS = N // CHUNK
BASE_PER_W = NCHUNKS // NS
REM = NCHUNKS - BASE_PER_W * NS
PAIRS0 = (BASE_PER_W + 2) // 2
TRIPLES = (BASE_PER_W + 1 + 2) // 3
NBLK = S // 128
BTAIL = S - NBLK * 128
BLK_ITERS = (NBLK + NS - 1) // NS
TAIL_SUB = NBLK - NS * (BLK_ITERS - 1)


def _sc_partials(features, seg_rows, zeros, ones):
    mesh = plsc.VectorSubcoreMesh(core_axis_name="c", subcore_axis_name="s")

    def body(feat_hbm, seg_hbm, zeros_hbm, ones_hbm, out_hbm,
             acc_s, rows_a, rows_b, rows_c, idx_a, idx_b, idx_c,
             sem_a, sem_b, sem_c, scat_a, scat_b, scat_c):
        c = lax.axis_index("c")
        s = lax.axis_index("s")

        pltpu.sync_copy(zeros_hbm, rows_a)
        for i in range(BLK_ITERS):
            b = s + NS * i

            @pl.when(b < NBLK)
            def _():
                pltpu.sync_copy(rows_a, acc_s.at[pl.ds(b * 128, 128)])

        @pl.when(s == TAIL_SUB)
        def _():
            pltpu.sync_copy(rows_a.at[pl.ds(0, BTAIL)],
                            acc_s.at[pl.ds(NBLK * 128, BTAIL)])

        plsc.subcore_barrier()

        @pl.when(c == 0)
        def _():
            nj = jnp.where(s < REM, BASE_PER_W + 1, BASE_PER_W)

            def load(k, idx_v, rows_v, sem):
                pltpu.async_copy(seg_hbm.at[k], idx_v, sem)
                pltpu.async_copy(feat_hbm.at[pl.ds(k * CHUNK, CHUNK)],
                                 rows_v, sem)

            def drain(k, idx_v, rows_v, sem):
                pltpu.make_async_copy(seg_hbm.at[k], idx_v, sem).wait()
                pltpu.make_async_copy(feat_hbm.at[pl.ds(k * CHUNK, CHUNK)],
                                      rows_v, sem).wait()

            slots = ((idx_a, rows_a, sem_a, scat_a),
                     (idx_b, rows_b, sem_b, scat_b),
                     (idx_c, rows_c, sem_c, scat_c))

            load(s, idx_a, rows_a, sem_a)
            load(s + NS, idx_b, rows_b, sem_b)

            def triple(jp, carry):
                for bi in range(3):
                    idx_v, rows_v, sem, scat = slots[bi]
                    idx_p, rows_p, sem_p, scat_p = slots[(bi + 2) % 3]
                    j = 3 * jp + bi
                    k = s + j * NS

                    @pl.when(j < nj)
                    def _():
                        drain(k, idx_v, rows_v, sem)

                        @pl.when(j >= 1)
                        def _():
                            pltpu.make_async_copy(
                                rows_p, acc_s.at[idx_p.at[0]], scat_p).wait()

                        pltpu.async_copy(rows_v, acc_s.at[idx_v.at[0]],
                                         scat, add=True)

                        @pl.when(j + 2 < nj)
                        def _():
                            load(k + 2 * NS, idx_p, rows_p, sem_p)

                return carry

            lax.fori_loop(0, TRIPLES, triple, 0)

            for t in range(3):
                idx_v, rows_v, sem, scat = slots[t]

                @pl.when((nj - 1) % 3 == t)
                def _():
                    pltpu.make_async_copy(rows_v, acc_s.at[idx_v.at[0]],
                                          scat).wait()

        @pl.when(c == 1)
        def _():
            pltpu.sync_copy(ones_hbm, rows_a)
            nb = jnp.where(s < REM, BASE_PER_W + 1, BASE_PER_W)

            pltpu.async_copy(seg_hbm.at[s], idx_a, sem_a)
            pltpu.async_copy(seg_hbm.at[s + NS], idx_b, sem_b)

            def pair(jp, carry):
                for bi, (idx_v, sem) in enumerate(
                        ((idx_a, sem_a), (idx_b, sem_b))):
                    j = 2 * jp + bi
                    k = s + j * NS

                    @pl.when(j < nb)
                    def _():
                        pltpu.make_async_copy(seg_hbm.at[k], idx_v,
                                              sem).wait()
                        pltpu.sync_copy(rows_a, acc_s.at[idx_v.at[0]],
                                        add=True)

                        @pl.when(j + 2 < nb)
                        def _():
                            pltpu.async_copy(seg_hbm.at[k + 2 * NS],
                                             idx_v, sem)

                return carry

            lax.fori_loop(0, PAIRS0, pair, 0)

        plsc.subcore_barrier()

        for i in range(BLK_ITERS):
            b = s + NS * i

            @pl.when(b < NBLK)
            def _():
                pltpu.sync_copy(acc_s.at[pl.ds(b * 128, 128)], rows_b)
                pltpu.sync_copy(rows_b, out_hbm.at[c, pl.ds(b * 128, 128)])

        @pl.when(s == TAIL_SUB)
        def _():
            pltpu.sync_copy(acc_s.at[pl.ds(NBLK * 128, BTAIL)],
                            rows_b.at[pl.ds(0, BTAIL)])
            pltpu.sync_copy(rows_b.at[pl.ds(0, BTAIL)],
                            out_hbm.at[c, pl.ds(NBLK * 128, BTAIL)])

    return pl.kernel(
        body,
        out_type=jax.ShapeDtypeStruct((NC, S, D), jnp.float32),
        mesh=mesh,
        scratch_types=[
            pltpu.VMEM_SHARED((S, D), jnp.float32),
            pltpu.VMEM((CHUNK, D), jnp.float32),
            pltpu.VMEM((CHUNK, D), jnp.float32),
            pltpu.VMEM((CHUNK, D), jnp.float32),
            pltpu.VMEM((1, 128), jnp.int32),
            pltpu.VMEM((1, 128), jnp.int32),
            pltpu.VMEM((1, 128), jnp.int32),
            pltpu.SemaphoreType.DMA,
            pltpu.SemaphoreType.DMA,
            pltpu.SemaphoreType.DMA,
            pltpu.SemaphoreType.DMA,
            pltpu.SemaphoreType.DMA,
            pltpu.SemaphoreType.DMA,
        ],
    )(features, seg_rows, zeros, ones)


def _combine(parts):
    def body(p_ref, out_ref):
        sums = p_ref[0]
        cnt = p_ref[1, :, 0:1]
        out_ref[...] = jnp.where(cnt > 0.0, sums / jnp.maximum(cnt, 1.0), 0.0)

    rows = 1000
    return pl.pallas_call(
        body,
        grid=(S // rows,),
        in_specs=[pl.BlockSpec((NC, rows, D), lambda i: (0, i, 0))],
        out_specs=pl.BlockSpec((rows, D), lambda i: (i, 0)),
        out_shape=jax.ShapeDtypeStruct((S, D), jnp.float32),
    )(parts)


def kernel(features, segments):
    seg_rows = segments.reshape(NCHUNKS, CHUNK // 128, 128)
    zeros = jnp.zeros((128, D), jnp.float32)
    ones = jnp.ones((128, D), jnp.float32)
    parts = _sc_partials(features, seg_rows, zeros, ones)
    return _combine(parts)

# --- scband reference (transcript-rebuilt; emitter-appended) ---
"""Pipeline reference for scband-segmented-mean-11879879543255 (READ-ONLY COPY).

The authoritative reference and input builder live on the scoring server;
editing this copy changes nothing except your own understanding.
"""

import jax, jax.numpy as jnp
import numpy as np

N = 320000
D = 128
NUM_SEGMENTS = 10000


def setup_inputs(seed: int = 0) -> dict:
    key = jax.random.key(seed)
    k1, k2 = jax.random.split(key)
    features = jax.random.normal(k1, (N, D), dtype=jnp.float32)
    segments = jnp.sort(jax.random.randint(k2, (N,), 0, NUM_SEGMENTS, dtype=jnp.int32))
    return {"features": features, "segments": segments}


def reference(features, segments):
    # tf.math.segment_mean: per-segment mean over sorted segment ids.
    # Output has num_segments rows; empty segments produce 0 (matches TF).
    sums = jax.ops.segment_sum(features, segments, num_segments=NUM_SEGMENTS)
    counts = jax.ops.segment_sum(
        jnp.ones((features.shape[0],), dtype=features.dtype),
        segments,
        num_segments=NUM_SEGMENTS,
    )
    safe_counts = jnp.maximum(counts, 1.0)
    means = sums / safe_counts[:, None]
    means = jnp.where(counts[:, None] > 0, means, 0.0)
    return means

if __name__ == "__main__":
    import jax
    _d = setup_inputs()
    print(jax.jit(kernel)(*tuple(_d.values())))

</pallas_src>

<mosaic_0001>
#map = affine_map<(d0, d1) -> (0, 0)>
#map1 = affine_map<(d0, d1) -> (0, 0, 0)>
module attributes {stable_mosaic.version = 14 : i64} {
  func.func @body(%arg0: i32, %arg1: i32, %arg2: memref<320000x128xf32, #tpu.memory_space<hbm>>, %arg3: memref<2500x1x128xi32, #tpu.memory_space<hbm>>, %arg4: memref<128x128xf32, #tpu.memory_space<hbm>>, %arg5: memref<128x128xf32, #tpu.memory_space<hbm>>, %arg6: memref<2x10000x128xf32, #tpu.memory_space<hbm>>, %arg7: memref<10000x128xf32, #tpu.memory_space<vmem_shared>>, %arg8: memref<128x128xf32, #tpu.memory_space<vmem>>, %arg9: memref<128x128xf32, #tpu.memory_space<vmem>>, %arg10: memref<128x128xf32, #tpu.memory_space<vmem>>, %arg11: memref<1x128xi32, #tpu.memory_space<vmem>>, %arg12: memref<1x128xi32, #tpu.memory_space<vmem>>, %arg13: memref<1x128xi32, #tpu.memory_space<vmem>>, %arg14: memref<!tpu.dma_semaphore, #tpu.memory_space<semaphore_mem>>, %arg15: memref<!tpu.dma_semaphore, #tpu.memory_space<semaphore_mem>>, %arg16: memref<!tpu.dma_semaphore, #tpu.memory_space<semaphore_mem>>, %arg17: memref<!tpu.dma_semaphore, #tpu.memory_space<semaphore_mem>>, %arg18: memref<!tpu.dma_semaphore, #tpu.memory_space<semaphore_mem>>, %arg19: memref<!tpu.dma_semaphore, #tpu.memory_space<semaphore_mem>>) attributes {dimension_semantics = [#tpu.dimension_semantics<core_parallel>, #tpu.dimension_semantics<subcore_parallel>], iteration_bounds = array<i64: 2, 16>, scalar_prefetch = 0 : i64, scratch_operands = 13 : i64, tpu.core_type = #tpu.core_type<sc_vector_subcore>, window_params = [{transform_indices = #map}, {transform_indices = #map1}, {transform_indices = #map}, {transform_indices = #map}, {transform_indices = #map1}]} {
    "tpu.region"() ({
      %run_scoped3A = tpu.sem_alloc : memref<!tpu.dma_semaphore, #tpu.memory_space<semaphore_mem>>
      tpu.enqueue_dma source(%arg4 : memref<128x128xf32, #tpu.memory_space<hbm>>) target(%arg8 : memref<128x128xf32, #tpu.memory_space<vmem>>) target_semaphore(%run_scoped3A : memref<!tpu.dma_semaphore, #tpu.memory_space<semaphore_mem>>)
      tpu.wait_dma2 semaphore(%run_scoped3A : memref<!tpu.dma_semaphore, #tpu.memory_space<semaphore_mem>>) src(%arg4 : memref<128x128xf32, #tpu.memory_space<hbm>>) dst(%arg8 : memref<128x128xf32, #tpu.memory_space<vmem>>)
      tpu.yield
    }) : () -> ()
    %add3A = arith.constant 0 : i32
    %add3A_0 = arith.addi %arg1, %add3A : i32
    %lt3A = arith.constant 78 : i32
    %lt3A_1 = arith.cmpi slt, %add3A_0, %lt3A : i32
    %convert_element_type3A = arith.extui %lt3A_1 : i1 to i32
    %cond3A = arith.constant 0 : i32
    %cond3A_2 = arith.cmpi ne, %convert_element_type3A, %cond3A : i32
    scf.if %cond3A_2 {
      %mul3A = arith.constant 128 : i32
      %mul3A_86 = arith.muli %add3A_0, %mul3A : i32
      "tpu.region"() ({
        %run_scoped3A = tpu.sem_alloc : memref<!tpu.dma_semaphore, #tpu.memory_space<semaphore_mem>>
        %dma_start3A = arith.constant 0 : i32
        %dma_start3A_87 = tpu.memref_slice %arg7[%mul3A_86, %dma_start3A] : memref<10000x128xf32, #tpu.memory_space<vmem_shared>> -> memref<128x128xf32, #tpu.memory_space<vmem_shared>>
        %dma_start3A_88 = arith.constant 0 : i32
        %dma_start3A_89 = tpu.memref_slice %arg7[%mul3A_86, %dma_start3A_88] : memref<10000x128xf32, #tpu.memory_space<vmem_shared>> -> memref<128x128xf32, #tpu.memory_space<vmem_shared>>
        tpu.enqueue_dma source(%arg8 : memref<128x128xf32, #tpu.memory_space<vmem>>) target(%dma_start3A_89 : memref<128x128xf32, #tpu.memory_space<vmem_shared>>) target_semaphore(%run_scoped3A : memref<!tpu.dma_semaphore, #tpu.memory_space<semaphore_mem>>)
        %dma_wait3A = arith.constant 0 : i32
        %dma_wait3A_90 = tpu.memref_slice %arg7[%mul3A_86, %dma_wait3A] : memref<10000x128xf32, #tpu.memory_space<vmem_shared>> -> memref<128x128xf32, #tpu.memory_space<vmem_shared>>
        %dma_wait3A_91 = arith.constant 0 : i32
        %dma_wait3A_92 = tpu.memref_slice %arg7[%mul3A_86, %dma_wait3A_91] : memref<10000x128xf32, #tpu.memory_space<vmem_shared>> -> memref<128x128xf32, #tpu.memory_space<vmem_shared>>
        tpu.wait_dma2 semaphore(%run_scoped3A : memref<!tpu.dma_semaphore, #tpu.memory_space<semaphore_mem>>) src(%arg8 : memref<128x128xf32, #tpu.memory_space<vmem>>) dst(%dma_wait3A_92 : memref<128x128xf32, #tpu.memory_space<vmem_shared>>)
        tpu.yield
      }) : () -> ()
    } else {
    }
    %add3A_3 = arith.constant 16 : i32
    %add3A_4 = arith.addi %arg1, %add3A_3 : i32
    %lt3A_5 = arith.constant 78 : i32
    %lt3A_6 = arith.cmpi slt, %add3A_4, %lt3A_5 : i32
    %convert_element_type3A_7 = arith.extui %lt3A_6 : i1 to i32
    %cond3A_8 = arith.constant 0 : i32
    %cond3A_9 = arith.cmpi ne, %convert_element_type3A_7, %cond3A_8 : i32
    scf.if %cond3A_9 {
      %mul3A = arith.constant 128 : i32
      %mul3A_86 = arith.muli %add3A_4, %mul3A : i32
      "tpu.region"() ({
        %run_scoped3A = tpu.sem_alloc : memref<!tpu.dma_semaphore, #tpu.memory_space<semaphore_mem>>
        %dma_start3A = arith.constant 0 : i32
        %dma_start3A_87 = tpu.memref_slice %arg7[%mul3A_86, %dma_start3A] : memref<10000x128xf32, #tpu.memory_space<vmem_shared>> -> memref<128x128xf32, #tpu.memory_space<vmem_shared>>
        %dma_start3A_88 = arith.constant 0 : i32
        %dma_start3A_89 = tpu.memref_slice %arg7[%mul3A_86, %dma_start3A_88] : memref<10000x128xf32, #tpu.memory_space<vmem_shared>> -> memref<128x128xf32, #tpu.memory_space<vmem_shared>>
        tpu.enqueue_dma source(%arg8 : memref<128x128xf32, #tpu.memory_space<vmem>>) target(%dma_start3A_89 : memref<128x128xf32, #tpu.memory_space<vmem_shared>>) target_semaphore(%run_scoped3A : memref<!tpu.dma_semaphore, #tpu.memory_space<semaphore_mem>>)
        %dma_wait3A = arith.constant 0 : i32
        %dma_wait3A_90 = tpu.memref_slice %arg7[%mul3A_86, %dma_wait3A] : memref<10000x128xf32, #tpu.memory_space<vmem_shared>> -> memref<128x128xf32, #tpu.memory_space<vmem_shared>>
        %dma_wait3A_91 = arith.constant 0 : i32
        %dma_wait3A_92 = tpu.memref_slice %arg7[%mul3A_86, %dma_wait3A_91] : memref<10000x128xf32, #tpu.memory_space<vmem_shared>> -> memref<128x128xf32, #tpu.memory_space<vmem_shared>>
        tpu.wait_dma2 semaphore(%run_scoped3A : memref<!tpu.dma_semaphore, #tpu.memory_space<semaphore_mem>>) src(%arg8 : memref<128x128xf32, #tpu.memory_space<vmem>>) dst(%dma_wait3A_92 : memref<128x128xf32, #tpu.memory_space<vmem_shared>>)
        tpu.yield
      }) : () -> ()
    } else {
    }
    %add3A_10 = arith.constant 32 : i32
    %add3A_11 = arith.addi %arg1, %add3A_10 : i32
    %lt3A_12 = arith.constant 78 : i32
    %lt3A_13 = arith.cmpi slt, %add3A_11, %lt3A_12 : i32
    %convert_element_type3A_14 = arith.extui %lt3A_13 : i1 to i32
    %cond3A_15 = arith.constant 0 : i32
    %cond3A_16 = arith.cmpi ne, %convert_element_type3A_14, %cond3A_15 : i32
    scf.if %cond3A_16 {
      %mul3A = arith.constant 128 : i32
      %mul3A_86 = arith.muli %add3A_11, %mul3A : i32
      "tpu.region"() ({
        %run_scoped3A = tpu.sem_alloc : memref<!tpu.dma_semaphore, #tpu.memory_space<semaphore_mem>>
        %dma_start3A = arith.constant 0 : i32
        %dma_start3A_87 = tpu.memref_slice %arg7[%mul3A_86, %dma_start3A] : memref<10000x128xf32, #tpu.memory_space<vmem_shared>> -> memref<128x128xf32, #tpu.memory_space<vmem_shared>>
        %dma_start3A_88 = arith.constant 0 : i32
        %dma_start3A_89 = tpu.memref_slice %arg7[%mul3A_86, %dma_start3A_88] : memref<10000x128xf32, #tpu.memory_space<vmem_shared>> -> memref<128x128xf32, #tpu.memory_space<vmem_shared>>
        tpu.enqueue_dma source(%arg8 : memref<128x128xf32, #tpu.memory_space<vmem>>) target(%dma_start3A_89 : memref<128x128xf32, #tpu.memory_space<vmem_shared>>) target_semaphore(%run_scoped3A : memref<!tpu.dma_semaphore, #tpu.memory_space<semaphore_mem>>)
        %dma_wait3A = arith.constant 0 : i32
        %dma_wait3A_90 = tpu.memref_slice %arg7[%mul3A_86, %dma_wait3A] : memref<10000x128xf32, #tpu.memory_space<vmem_shared>> -> memref<128x128xf32, #tpu.memory_space<vmem_shared>>
        %dma_wait3A_91 = arith.constant 0 : i32
        %dma_wait3A_92 = tpu.memref_slice %arg7[%mul3A_86, %dma_wait3A_91] : memref<10000x128xf32, #tpu.memory_space<vmem_shared>> -> memref<128x128xf32, #tpu.memory_space<vmem_shared>>
        tpu.wait_dma2 semaphore(%run_scoped3A : memref<!tpu.dma_semaphore, #tpu.memory_space<semaphore_mem>>) src(%arg8 : memref<128x128xf32, #tpu.memory_space<vmem>>) dst(%dma_wait3A_92 : memref<128x128xf32, #tpu.memory_space<vmem_shared>>)
        tpu.yield
      }) : () -> ()
    } else {
    }
    %add3A_17 = arith.constant 48 : i32
    %add3A_18 = arith.addi %arg1, %add3A_17 : i32
    %lt3A_19 = arith.constant 78 : i32
    %lt3A_20 = arith.cmpi slt, %add3A_18, %lt3A_19 : i32
    %convert_element_type3A_21 = arith.extui %lt3A_20 : i1 to i32
    %cond3A_22 = arith.constant 0 : i32
    %cond3A_23 = arith.cmpi ne, %convert_element_type3A_21, %cond3A_22 : i32
    scf.if %cond3A_23 {
      %mul3A = arith.constant 128 : i32
      %mul3A_86 = arith.muli %add3A_18, %mul3A : i32
      "tpu.region"() ({
        %run_scoped3A = tpu.sem_alloc : memref<!tpu.dma_semaphore, #tpu.memory_space<semaphore_mem>>
        %dma_start3A = arith.constant 0 : i32
        %dma_start3A_87 = tpu.memref_slice %arg7[%mul3A_86, %dma_start3A] : memref<10000x128xf32, #tpu.memory_space<vmem_shared>> -> memref<128x128xf32, #tpu.memory_space<vmem_shared>>
        %dma_start3A_88 = arith.constant 0 : i32
        %dma_start3A_89 = tpu.memref_slice %arg7[%mul3A_86, %dma_start3A_88] : memref<10000x128xf32, #tpu.memory_space<vmem_shared>> -> memref<128x128xf32, #tpu.memory_space<vmem_shared>>
        tpu.enqueue_dma source(%arg8 : memref<128x128xf32, #tpu.memory_space<vmem>>) target(%dma_start3A_89 : memref<128x128xf32, #tpu.memory_space<vmem_shared>>) target_semaphore(%run_scoped3A : memref<!tpu.dma_semaphore, #tpu.memory_space<semaphore_mem>>)
        %dma_wait3A = arith.constant 0 : i32
        %dma_wait3A_90 = tpu.memref_slice %arg7[%mul3A_86, %dma_wait3A] : memref<10000x128xf32, #tpu.memory_space<vmem_shared>> -> memref<128x128xf32, #tpu.memory_space<vmem_shared>>
        %dma_wait3A_91 = arith.constant 0 : i32
        %dma_wait3A_92 = tpu.memref_slice %arg7[%mul3A_86, %dma_wait3A_91] : memref<10000x128xf32, #tpu.memory_space<vmem_shared>> -> memref<128x128xf32, #tpu.memory_space<vmem_shared>>
        tpu.wait_dma2 semaphore(%run_scoped3A : memref<!tpu.dma_semaphore, #tpu.memory_space<semaphore_mem>>) src(%arg8 : memref<128x128xf32, #tpu.memory_space<vmem>>) dst(%dma_wait3A_92 : memref<128x128xf32, #tpu.memory_space<vmem_shared>>)
        tpu.yield
      }) : () -> ()
    } else {
    }
    %add3A_24 = arith.constant 64 : i32
    %add3A_25 = arith.addi %arg1, %add3A_24 : i32
    %lt3A_26 = arith.constant 78 : i32
    %lt3A_27 = arith.cmpi slt, %add3A_25, %lt3A_26 : i32
    %convert_element_type3A_28 = arith.extui %lt3A_27 : i1 to i32
    %cond3A_29 = arith.constant 0 : i32
    %cond3A_30 = arith.cmpi ne, %convert_element_type3A_28, %cond3A_29 : i32
    scf.if %cond3A_30 {
      %mul3A = arith.constant 128 : i32
      %mul3A_86 = arith.muli %add3A_25, %mul3A : i32
      "tpu.region"() ({
        %run_scoped3A = tpu.sem_alloc : memref<!tpu.dma_semaphore, #tpu.memory_space<semaphore_mem>>
        %dma_start3A = arith.constant 0 : i32
        %dma_start3A_87 = tpu.memref_slice %arg7[%mul3A_86, %dma_start3A] : memref<10000x128xf32, #tpu.memory_space<vmem_shared>> -> memref<128x128xf32, #tpu.memory_space<vmem_shared>>
        %dma_start3A_88 = arith.constant 0 : i32
        %dma_start3A_89 = tpu.memref_slice %arg7[%mul3A_86, %dma_start3A_88] : memref<10000x128xf32, #tpu.memory_space<vmem_shared>> -> memref<128x128xf32, #tpu.memory_space<vmem_shared>>
        tpu.enqueue_dma source(%arg8 : memref<128x128xf32, #tpu.memory_space<vmem>>) target(%dma_start3A_89 : memref<128x128xf32, #tpu.memory_space<vmem_shared>>) target_semaphore(%run_scoped3A : memref<!tpu.dma_semaphore, #tpu.memory_space<semaphore_mem>>)
        %dma_wait3A = arith.constant 0 : i32
        %dma_wait3A_90 = tpu.memref_slice %arg7[%mul3A_86, %dma_wait3A] : memref<10000x128xf32, #tpu.memory_space<vmem_shared>> -> memref<128x128xf32, #tpu.memory_space<vmem_shared>>
        %dma_wait3A_91 = arith.constant 0 : i32
        %dma_wait3A_92 = tpu.memref_slice %arg7[%mul3A_86, %dma_wait3A_91] : memref<10000x128xf32, #tpu.memory_space<vmem_shared>> -> memref<128x128xf32, #tpu.memory_space<vmem_shared>>
        tpu.wait_dma2 semaphore(%run_scoped3A : memref<!tpu.dma_semaphore, #tpu.memory_space<semaphore_mem>>) src(%arg8 : memref<128x128xf32, #tpu.memory_space<vmem>>) dst(%dma_wait3A_92 : memref<128x128xf32, #tpu.memory_space<vmem_shared>>)
        tpu.yield
      }) : () -> ()
    } else {
    }
    %eq3A = arith.constant 14 : i32
    %eq3A_31 = arith.cmpi eq, %arg1, %eq3A : i32
    %convert_element_type3A_32 = arith.extui %eq3A_31 : i1 to i32
    %cond3A_33 = arith.constant 0 : i32
    %cond3A_34 = arith.cmpi ne, %convert_element_type3A_32, %cond3A_33 : i32
    scf.if %cond3A_34 {
      "tpu.region"() ({
        %run_scoped3A = tpu.sem_alloc : memref<!tpu.dma_semaphore, #tpu.memory_space<semaphore_mem>>
        %dma_start3A = arith.constant 0 : i32
        %dma_start3A_86 = arith.constant 0 : i32
        %dma_start3A_87 = tpu.memref_slice %arg8[%dma_start3A, %dma_start3A_86] : memref<128x128xf32, #tpu.memory_space<vmem>> -> memref<16x128xf32, #tpu.memory_space<vmem>>
        %dma_start3A_88 = arith.constant 9984 : i32
        %dma_start3A_89 = arith.constant 0 : i32
        %dma_start3A_90 = tpu.memref_slice %arg7[%dma_start3A_88, %dma_start3A_89] : memref<10000x128xf32, #tpu.memory_space<vmem_shared>> -> memref<16x128xf32, #tpu.memory_space<vmem_shared>>
        %dma_start3A_91 = arith.constant 9984 : i32
        %dma_start3A_92 = arith.constant 0 : i32
        %dma_start3A_93 = tpu.memref_slice %arg7[%dma_start3A_91, %dma_start3A_92] : memref<10000x128xf32, #tpu.memory_space<vmem_shared>> -> memref<16x128xf32, #tpu.memory_space<vmem_shared>>
        %dma_start3A_94 = arith.constant 0 : i32
        %dma_start3A_95 = arith.constant 0 : i32
        %dma_start3A_96 = tpu.memref_slice %arg8[%dma_start3A_94, %dma_start3A_95] : memref<128x128xf32, #tpu.memory_space<vmem>> -> memref<16x128xf32, #tpu.memory_space<vmem>>
        tpu.enqueue_dma source(%dma_start3A_96 : memref<16x128xf32, #tpu.memory_space<vmem>>) target(%dma_start3A_93 : memref<16x128xf32, #tpu.memory_space<vmem_shared>>) target_semaphore(%run_scoped3A : memref<!tpu.dma_semaphore, #tpu.memory_space<semaphore_mem>>)
        %dma_wait3A = arith.constant 0 : i32
        %dma_wait3A_97 = arith.constant 0 : i32
        %dma_wait3A_98 = tpu.memref_slice %arg8[%dma_wait3A, %dma_wait3A_97] : memref<128x128xf32, #tpu.memory_space<vmem>> -> memref<16x128xf32, #tpu.memory_space<vmem>>
        %dma_wait3A_99 = arith.constant 9984 : i32
        %dma_wait3A_100 = arith.constant 0 : i32
        %dma_wait3A_101 = tpu.memref_slice %arg7[%dma_wait3A_99, %dma_wait3A_100] : memref<10000x128xf32, #tpu.memory_space<vmem_shared>> -> memref<16x128xf32, #tpu.memory_space<vmem_shared>>
        %dma_wait3A_102 = arith.constant 9984 : i32
        %dma_wait3A_103 = arith.constant 0 : i32
        %dma_wait3A_104 = tpu.memref_slice %arg7[%dma_wait3A_102, %dma_wait3A_103] : memref<10000x128xf32, #tpu.memory_space<vmem_shared>> -> memref<16x128xf32, #tpu.memory_space<vmem_shared>>
        %dma_wait3A_105 = arith.constant 0 : i32
        %dma_wait3A_106 = arith.constant 0 : i32
        %dma_wait3A_107 = tpu.memref_slice %arg8[%dma_wait3A_105, %dma_wait3A_106] : memref<128x128xf32, #tpu.memory_space<vmem>> -> memref<16x128xf32, #tpu.memory_space<vmem>>
        tpu.wait_dma2 semaphore(%run_scoped3A : memref<!tpu.dma_semaphore, #tpu.memory_space<semaphore_mem>>) src(%dma_wait3A_107 : memref<16x128xf32, #tpu.memory_space<vmem>>) dst(%dma_wait3A_104 : memref<16x128xf32, #tpu.memory_space<vmem_shared>>)
        tpu.yield
      }) : () -> ()
    } else {
    }
    %barrier3A = arith.constant 0 : index
    tpu.barrier barrier_id(%barrier3A)
    %eq3A_35 = arith.constant 0 : i32
    %eq3A_36 = arith.cmpi eq, %arg0, %eq3A_35 : i32
    %convert_element_type3A_37 = arith.extui %eq3A_36 : i1 to i32
    %cond3A_38 = arith.constant 0 : i32
    %cond3A_39 = arith.cmpi ne, %convert_element_type3A_37, %cond3A_38 : i32
    scf.if %cond3A_39 {
      %lt3A_86 = arith.constant 4 : i32
      %lt3A_87 = arith.cmpi slt, %arg1, %lt3A_86 : i32
      %jit3A = arith.constant 157 : i32
      %jit3A_88 = arith.constant 156 : i32
      %select_n3A = arith.select %lt3A_87, %jit3A, %jit3A_88 : i32
      %dma_start3A = arith.constant 0 : i32
      %dma_start3A_89 = arith.constant 0 : i32
      %dma_start3A_90 = tpu.memref_slice %arg3[%arg1, %dma_start3A, %dma_start3A_89] : memref<2500x1x128xi32, #tpu.memory_space<hbm>> -> memref<1x1x128xi32, #tpu.memory_space<hbm>>
      %dma_start3A_91 = tpu.memref_squeeze %dma_start3A_90 : memref<1x1x128xi32, #tpu.memory_space<hbm>> -> memref<1x128xi32, #tpu.memory_space<hbm>>
      %dma_start3A_92 = arith.constant 0 : i32
      %dma_start3A_93 = arith.constant 0 : i32
      %dma_start3A_94 = tpu.memref_slice %arg3[%arg1, %dma_start3A_92, %dma_start3A_93] : memref<2500x1x128xi32, #tpu.memory_space<hbm>> -> memref<1x1x128xi32, #tpu.memory_space<hbm>>
      %dma_start3A_95 = tpu.memref_squeeze %dma_start3A_94 : memref<1x1x128xi32, #tpu.memory_space<hbm>> -> memref<1x128xi32, #tpu.memory_space<hbm>>
      tpu.enqueue_dma source(%dma_start3A_95 : memref<1x128xi32, #tpu.memory_space<hbm>>) target(%arg11 : memref<1x128xi32, #tpu.memory_space<vmem>>) target_semaphore(%arg14 : memref<!tpu.dma_semaphore, #tpu.memory_space<semaphore_mem>>)
      %mul3A = arith.constant 128 : i32
      %mul3A_96 = arith.muli %arg1, %mul3A : i32
      %dma_start3A_97 = arith.constant 0 : i32
      %dma_start3A_98 = tpu.memref_slice %arg2[%mul3A_96, %dma_start3A_97] : memref<320000x128xf32, #tpu.memory_space<hbm>> -> memref<128x128xf32, #tpu.memory_space<hbm>>
      %dma_start3A_99 = arith.constant 0 : i32
      %dma_start3A_100 = tpu.memref_slice %arg2[%mul3A_96, %dma_start3A_99] : memref<320000x128xf32, #tpu.memory_space<hbm>> -> memref<128x128xf32, #tpu.memory_space<hbm>>
      tpu.enqueue_dma source(%dma_start3A_100 : memref<128x128xf32, #tpu.memory_space<hbm>>) target(%arg8 : memref<128x128xf32, #tpu.memory_space<vmem>>) target_semaphore(%arg14 : memref<!tpu.dma_semaphore, #tpu.memory_space<semaphore_mem>>)
      %add3A_101 = arith.constant 16 : i32
      %add3A_102 = arith.addi %arg1, %add3A_101 : i32
      %dma_start3A_103 = arith.constant 0 : i32
      %dma_start3A_104 = arith.constant 0 : i32
      %dma_start3A_105 = tpu.memref_slice %arg3[%add3A_102, %dma_start3A_103, %dma_start3A_104] : memref<2500x1x128xi32, #tpu.memory_space<hbm>> -> memref<1x1x128xi32, #tpu.memory_space<hbm>>
      %dma_start3A_106 = tpu.memref_squeeze %dma_start3A_105 : memref<1x1x128xi32, #tpu.memory_space<hbm>> -> memref<1x128xi32, #tpu.memory_space<hbm>>
      %dma_start3A_107 = arith.constant 0 : i32
      %dma_start3A_108 = arith.constant 0 : i32
      %dma_start3A_109 = tpu.memref_slice %arg3[%add3A_102, %dma_start3A_107, %dma_start3A_108] : memref<2500x1x128xi32, #tpu.memory_space<hbm>> -> memref<1x1x128xi32, #tpu.memory_space<hbm>>
      %dma_start3A_110 = tpu.memref_squeeze %dma_start3A_109 : memref<1x1x128xi32, #tpu.memory_space<hbm>> -> memref<1x128xi32, #tpu.memory_space<hbm>>
      tpu.enqueue_dma source(%dma_start3A_110 : memref<1x128xi32, #tpu.memory_space<hbm>>) target(%arg12 : memref<1x128xi32, #tpu.memory_space<vmem>>) target_semaphore(%arg15 : memref<!tpu.dma_semaphore, #tpu.memory_space<semaphore_mem>>)
      %mul3A_111 = arith.constant 128 : i32
      %mul3A_112 = arith.muli %add3A_102, %mul3A_111 : i32
      %dma_start3A_113 = arith.constant 0 : i32
      %dma_start3A_114 = tpu.memref_slice %arg2[%mul3A_112, %dma_start3A_113] : memref<320000x128xf32, #tpu.memory_space<hbm>> -> memref<128x128xf32, #tpu.memory_space<hbm>>
      %dma_start3A_115 = arith.constant 0 : i32
      %dma_start3A_116 = tpu.memref_slice %arg2[%mul3A_112, %dma_start3A_115] : memref<320000x128xf32, #tpu.memory_space<hbm>> -> memref<128x128xf32, #tpu.memory_space<hbm>>
      tpu.enqueue_dma source(%dma_start3A_116 : memref<128x128xf32, #tpu.memory_space<hbm>>) target(%arg9 : memref<128x128xf32, #tpu.memory_space<vmem>>) target_semaphore(%arg15 : memref<!tpu.dma_semaphore, #tpu.memory_space<semaphore_mem>>)
      %scan3A = arith.constant 0 : i32
      %scan3A_117 = arith.constant 0 : i32
      %scan3A_118 = arith.constant 53 : i32
      %scan3A_119 = arith.addi %scan3A_117, %scan3A_118 : i32
      %scan3A_120 = arith.constant 1 : i32
      scf.for %scan3A_187 = %scan3A_117 to %scan3A_119 step %scan3A_120  : i32 {
        %mul3A_188 = arith.constant 3 : i32
        %mul3A_189 = arith.muli %mul3A_188, %scan3A_187 : i32
        %add3A_190 = arith.constant 0 : i32
        %add3A_191 = arith.addi %mul3A_189, %add3A_190 : i32
        %mul3A_192 = arith.constant 16 : i32
        %mul3A_193 = arith.muli %add3A_191, %mul3A_192 : i32
        %add3A_194 = arith.addi %arg1, %mul3A_193 : i32
        %lt3A_195 = arith.cmpi slt, %add3A_191, %select_n3A : i32
        %convert_element_type3A_196 = arith.extui %lt3A_195 : i1 to i32
        %cond3A_197 = arith.constant 0 : i32
        %cond3A_198 = arith.cmpi ne, %convert_element_type3A_196, %cond3A_197 : i32
        scf.if %cond3A_198 {
          %dma_wait3A = arith.constant 0 : i32
          %dma_wait3A_221 = arith.constant 0 : i32
          %dma_wait3A_222 = tpu.memref_slice %arg3[%add3A_194, %dma_wait3A, %dma_wait3A_221] : memref<2500x1x128xi32, #tpu.memory_space<hbm>> -> memref<1x1x128xi32, #tpu.memory_space<hbm>>
          %dma_wait3A_223 = tpu.memref_squeeze %dma_wait3A_222 : memref<1x1x128xi32, #tpu.memory_space<hbm>> -> memref<1x128xi32, #tpu.memory_space<hbm>>
          %dma_wait3A_224 = arith.constant 0 : i32
          %dma_wait3A_225 = arith.constant 0 : i32
          %dma_wait3A_226 = tpu.memref_slice %arg3[%add3A_194, %dma_wait3A_224, %dma_wait3A_225] : memref<2500x1x128xi32, #tpu.memory_space<hbm>> -> memref<1x1x128xi32, #tpu.memory_space<hbm>>
          %dma_wait3A_227 = tpu.memref_squeeze %dma_wait3A_226 : memref<1x1x128xi32, #tpu.memory_space<hbm>> -> memref<1x128xi32, #tpu.memory_space<hbm>>
          tpu.wait_dma2 semaphore(%arg14 : memref<!tpu.dma_semaphore, #tpu.memory_space<semaphore_mem>>) src(%dma_wait3A_227 : memref<1x128xi32, #tpu.memory_space<hbm>>) dst(%arg11 : memref<1x128xi32, #tpu.memory_space<vmem>>)
          %mul3A_228 = arith.constant 128 : i32
          %mul3A_229 = arith.muli %add3A_194, %mul3A_228 : i32
          %dma_wait3A_230 = arith.constant 0 : i32
          %dma_wait3A_231 = tpu.memref_slice %arg2[%mul3A_229, %dma_wait3A_230] : memref<320000x128xf32, #tpu.memory_space<hbm>> -> memref<128x128xf32, #tpu.memory_space<hbm>>
          %dma_wait3A_232 = arith.constant 0 : i32
          %dma_wait3A_233 = tpu.memref_slice %arg2[%mul3A_229, %dma_wait3A_232] : memref<320000x128xf32, #tpu.memory_space<hbm>> -> memref<128x128xf32, #tpu.memory_space<hbm>>
          tpu.wait_dma2 semaphore(%arg14 : memref<!tpu.dma_semaphore, #tpu.memory_space<semaphore_mem>>) src(%dma_wait3A_233 : memref<128x128xf32, #tpu.memory_space<hbm>>) dst(%arg8 : memref<128x128xf32, #tpu.memory_space<vmem>>)
          %ge3A = arith.constant 1 : i32
          %ge3A_234 = arith.cmpi sge, %add3A_191, %ge3A : i32
          %convert_element_type3A_235 = arith.extui %ge3A_234 : i1 to i32
          %cond3A_236 = arith.constant 0 : i32
          %cond3A_237 = arith.cmpi ne, %convert_element_type3A_235, %cond3A_236 : i32
          scf.if %cond3A_237 {
            %dma_wait3A_251 = arith.constant 0 : i32
            %dma_wait3A_252 = arith.constant 0 : i32
            %dma_wait3A_253 = tpu.memref_slice %arg13[%dma_wait3A_251, %dma_wait3A_252] : memref<1x128xi32, #tpu.memory_space<vmem>> -> memref<1x128xi32, #tpu.memory_space<vmem>>
            %dma_wait3A_254 = tpu.memref_squeeze %dma_wait3A_253 : memref<1x128xi32, #tpu.memory_space<vmem>> -> memref<128xi32, #tpu.memory_space<vmem>>
            %dma_wait3A_255 = arith.constant 0 : i32
            %dma_wait3A_256 = arith.constant 0 : i32
            %dma_wait3A_257 = tpu.memref_slice %arg7[%dma_wait3A_255, %dma_wait3A_256] : memref<10000x128xf32, #tpu.memory_space<vmem_shared>> -> memref<10000x128xf32, #tpu.memory_space<vmem_shared>>
            tpu.wait_indirect_dma semaphore(%arg19 : memref<!tpu.dma_semaphore, #tpu.memory_space<semaphore_mem>>) src(%arg10 : memref<128x128xf32, #tpu.memory_space<vmem>>) dst(%dma_wait3A_257 : memref<10000x128xf32, #tpu.memory_space<vmem_shared>>)
          } else {
          }
          %dma_start3A_238 = arith.constant 0 : i32
          %dma_start3A_239 = arith.constant 0 : i32
          %dma_start3A_240 = tpu.memref_slice %arg11[%dma_start3A_238, %dma_start3A_239] : memref<1x128xi32, #tpu.memory_space<vmem>> -> memref<1x128xi32, #tpu.memory_space<vmem>>
          %dma_start3A_241 = tpu.memref_squeeze %dma_start3A_240 : memref<1x128xi32, #tpu.memory_space<vmem>> -> memref<128xi32, #tpu.memory_space<vmem>>
          %dma_start3A_242 = arith.constant 0 : i32
          %dma_start3A_243 = arith.constant 0 : i32
          %dma_start3A_244 = tpu.memref_slice %arg7[%dma_start3A_242, %dma_start3A_243] : memref<10000x128xf32, #tpu.memory_space<vmem_shared>> -> memref<10000x128xf32, #tpu.memory_space<vmem_shared>>
          tpu.enqueue_indirect_dma source(%arg8 : memref<128x128xf32, #tpu.memory_space<vmem>>) target(%dma_start3A_244 : memref<10000x128xf32, #tpu.memory_space<vmem_shared>>) offsets(%dma_start3A_241 : memref<128xi32, #tpu.memory_space<vmem>>) semaphore(%arg17 : memref<!tpu.dma_semaphore, #tpu.memory_space<semaphore_mem>>) {add = true}
          %add3A_245 = arith.constant 2 : i32
          %add3A_246 = arith.addi %add3A_191, %add3A_245 : i32
          %lt3A_247 = arith.cmpi slt, %add3A_246, %select_n3A : i32
          %convert_element_type3A_248 = arith.extui %lt3A_247 : i1 to i32
          %cond3A_249 = arith.constant 0 : i32
          %cond3A_250 = arith.cmpi ne, %convert_element_type3A_248, %cond3A_249 : i32
          scf.if %cond3A_250 {
            %add3A_251 = arith.constant 32 : i32
            %add3A_252 = arith.addi %add3A_194, %add3A_251 : i32
            %dma_start3A_253 = arith.constant 0 : i32
            %dma_start3A_254 = arith.constant 0 : i32
            %dma_start3A_255 = tpu.memref_slice %arg3[%add3A_252, %dma_start3A_253, %dma_start3A_254] : memref<2500x1x128xi32, #tpu.memory_space<hbm>> -> memref<1x1x128xi32, #tpu.memory_space<hbm>>
            %dma_start3A_256 = tpu.memref_squeeze %dma_start3A_255 : memref<1x1x128xi32, #tpu.memory_space<hbm>> -> memref<1x128xi32, #tpu.memory_space<hbm>>
            %dma_start3A_257 = arith.constant 0 : i32
            %dma_start3A_258 = arith.constant 0 : i32
            %dma_start3A_259 = tpu.memref_slice %arg3[%add3A_252, %dma_start3A_257, %dma_start3A_258] : memref<2500x1x128xi32, #tpu.memory_space<hbm>> -> memref<1x1x128xi32, #tpu.memory_space<hbm>>
            %dma_start3A_260 = tpu.memref_squeeze %dma_start3A_259 : memref<1x1x128xi32, #tpu.memory_space<hbm>> -> memref<1x128xi32, #tpu.memory_space<hbm>>
            tpu.enqueue_dma source(%dma_start3A_260 : memref<1x128xi32, #tpu.memory_space<hbm>>) target(%arg13 : memref<1x128xi32, #tpu.memory_space<vmem>>) target_semaphore(%arg16 : memref<!tpu.dma_semaphore, #tpu.memory_space<semaphore_mem>>)
            %mul3A_261 = arith.constant 128 : i32
            %mul3A_262 = arith.muli %add3A_252, %mul3A_261 : i32
            %dma_start3A_263 = arith.constant 0 : i32
            %dma_start3A_264 = tpu.memref_slice %arg2[%mul3A_262, %dma_start3A_263] : memref<320000x128xf32, #tpu.memory_space<hbm>> -> memref<128x128xf32, #tpu.memory_space<hbm>>
            %dma_start3A_265 = arith.constant 0 : i32
            %dma_start3A_266 = tpu.memref_slice %arg2[%mul3A_262, %dma_start3A_265] : memref<320000x128xf32, #tpu.memory_space<hbm>> -> memref<128x128xf32, #tpu.memory_space<hbm>>
            tpu.enqueue_dma source(%dma_start3A_266 : memref<128x128xf32, #tpu.memory_space<hbm>>) target(%arg10 : memref<128x128xf32, #tpu.memory_space<vmem>>) target_semaphore(%arg16 : memref<!tpu.dma_semaphore, #tpu.memory_space<semaphore_mem>>)
          } else {
          }
        } else {
        }
        %mul3A_199 = arith.constant 3 : i32
        %mul3A_200 = arith.muli %mul3A_199, %scan3A_187 : i32
        %add3A_201 = arith.constant 1 : i32
        %add3A_202 = arith.addi %mul3A_200, %add3A_201 : i32
        %mul3A_203 = arith.constant 16 : i32
        %mul3A_204 = arith.muli %add3A_202, %mul3A_203 : i32
        %add3A_205 = arith.addi %arg1, %mul3A_204 : i32
        %lt3A_206 = arith.cmpi slt, %add3A_202, %select_n3A : i32
        %convert_element_type3A_207 = arith.extui %lt3A_206 : i1 to i32
        %cond3A_208 = arith.constant 0 : i32
        %cond3A_209 = arith.cmpi ne, %convert_element_type3A_207, %cond3A_208 : i32
        scf.if %cond3A_209 {
          %dma_wait3A = arith.constant 0 : i32
          %dma_wait3A_221 = arith.constant 0 : i32
          %dma_wait3A_222 = tpu.memref_slice %arg3[%add3A_205, %dma_wait3A, %dma_wait3A_221] : memref<2500x1x128xi32, #tpu.memory_space<hbm>> -> memref<1x1x128xi32, #tpu.memory_space<hbm>>
          %dma_wait3A_223 = tpu.memref_squeeze %dma_wait3A_222 : memref<1x1x128xi32, #tpu.memory_space<hbm>> -> memref<1x128xi32, #tpu.memory_space<hbm>>
          %dma_wait3A_224 = arith.constant 0 : i32
          %dma_wait3A_225 = arith.constant 0 : i32
          %dma_wait3A_226 = tpu.memref_slice %arg3[%add3A_205, %dma_wait3A_224, %dma_wait3A_225] : memref<2500x1x128xi32, #tpu.memory_space<hbm>> -> memref<1x1x128xi32, #tpu.memory_space<hbm>>
          %dma_wait3A_227 = tpu.memref_squeeze %dma_wait3A_226 : memref<1x1x128xi32, #tpu.memory_space<hbm>> -> memref<1x128xi32, #tpu.memory_space<hbm>>
          tpu.wait_dma2 semaphore(%arg15 : memref<!tpu.dma_semaphore, #tpu.memory_space<semaphore_mem>>) src(%dma_wait3A_227 : memref<1x128xi32, #tpu.memory_space<hbm>>) dst(%arg12 : memref<1x128xi32, #tpu.memory_space<vmem>>)
          %mul3A_228 = arith.constant 128 : i32
          %mul3A_229 = arith.muli %add3A_205, %mul3A_228 : i32
          %dma_wait3A_230 = arith.constant 0 : i32
          %dma_wait3A_231 = tpu.memref_slice %arg2[%mul3A_229, %dma_wait3A_230] : memref<320000x128xf32, #tpu.memory_space<hbm>> -> memref<128x128xf32, #tpu.memory_space<hbm>>
          %dma_wait3A_232 = arith.constant 0 : i32
          %dma_wait3A_233 = tpu.memref_slice %arg2[%mul3A_229, %dma_wait3A_232] : memref<320000x128xf32, #tpu.memory_space<hbm>> -> memref<128x128xf32, #tpu.memory_space<hbm>>
          tpu.wait_dma2 semaphore(%arg15 : memref<!tpu.dma_semaphore, #tpu.memory_space<semaphore_mem>>) src(%dma_wait3A_233 : memref<128x128xf32, #tpu.memory_space<hbm>>) dst(%arg9 : memref<128x128xf32, #tpu.memory_space<vmem>>)
          %ge3A = arith.constant 1 : i32
          %ge3A_234 = arith.cmpi sge, %add3A_202, %ge3A : i32
          %convert_element_type3A_235 = arith.extui %ge3A_234 : i1 to i32
          %cond3A_236 = arith.constant 0 : i32
          %cond3A_237 = arith.cmpi ne, %convert_element_type3A_235, %cond3A_236 : i32
          scf.if %cond3A_237 {
            %dma_wait3A_251 = arith.constant 0 : i32
            %dma_wait3A_252 = arith.constant 0 : i32
            %dma_wait3A_253 = tpu.memref_slice %arg11[%dma_wait3A_251, %dma_wait3A_252] : memref<1x128xi32, #tpu.memory_space<vmem>> -> memref<1x128xi32, #tpu.memory_space<vmem>>
            %dma_wait3A_254 = tpu.memref_squeeze %dma_wait3A_253 : memref<1x128xi32, #tpu.memory_space<vmem>> -> memref<128xi32, #tpu.memory_space<vmem>>
            %dma_wait3A_255 = arith.constant 0 : i32
            %dma_wait3A_256 = arith.constant 0 : i32
            %dma_wait3A_257 = tpu.memref_slice %arg7[%dma_wait3A_255, %dma_wait3A_256] : memref<10000x128xf32, #tpu.memory_space<vmem_shared>> -> memref<10000x128xf32, #tpu.memory_space<vmem_shared>>
            tpu.wait_indirect_dma semaphore(%arg17 : memref<!tpu.dma_semaphore, #tpu.memory_space<semaphore_mem>>) src(%arg8 : memref<128x128xf32, #tpu.memory_space<vmem>>) dst(%dma_wait3A_257 : memref<10000x128xf32, #tpu.memory_space<vmem_shared>>)
          } else {
          }
          %dma_start3A_238 = arith.constant 0 : i32
          %dma_start3A_239 = arith.constant 0 : i32
          %dma_start3A_240 = tpu.memref_slice %arg12[%dma_start3A_238, %dma_start3A_239] : memref<1x128xi32, #tpu.memory_space<vmem>> -> memref<1x128xi32, #tpu.memory_space<vmem>>
          %dma_start3A_241 = tpu.memref_squeeze %dma_start3A_240 : memref<1x128xi32, #tpu.memory_space<vmem>> -> memref<128xi32, #tpu.memory_space<vmem>>
          %dma_start3A_242 = arith.constant 0 : i32
          %dma_start3A_243 = arith.constant 0 : i32
          %dma_start3A_244 = tpu.memref_slice %arg7[%dma_start3A_242, %dma_start3A_243] : memref<10000x128xf32, #tpu.memory_space<vmem_shared>> -> memref<10000x128xf32, #tpu.memory_space<vmem_shared>>
          tpu.enqueue_indirect_dma source(%arg9 : memref<128x128xf32, #tpu.memory_space<vmem>>) target(%dma_start3A_244 : memref<10000x128xf32, #tpu.memory_space<vmem_shared>>) offsets(%dma_start3A_241 : memref<128xi32, #tpu.memory_space<vmem>>) semaphore(%arg18 : memref<!tpu.dma_semaphore, #tpu.memory_space<semaphore_mem>>) {add = true}
          %add3A_245 = arith.constant 2 : i32
          %add3A_246 = arith.addi %add3A_202, %add3A_245 : i32
          %lt3A_247 = arith.cmpi slt, %add3A_246, %select_n3A : i32
          %convert_element_type3A_248 = arith.extui %lt3A_247 : i1 to i32
          %cond3A_249 = arith.constant 0 : i32
          %cond3A_250 = arith.cmpi ne, %convert_element_type3A_248, %cond3A_249 : i32
          scf.if %cond3A_250 {
            %add3A_251 = arith.constant 32 : i32
            %add3A_252 = arith.addi %add3A_205, %add3A_251 : i32
            %dma_start3A_253 = arith.constant 0 : i32
            %dma_start3A_254 = arith.constant 0 : i32
            %dma_start3A_255 = tpu.memref_slice %arg3[%add3A_252, %dma_start3A_253, %dma_start3A_254] : memref<2500x1x128xi32, #tpu.memory_space<hbm>> -> memref<1x1x128xi32, #tpu.memory_space<hbm>>
            %dma_start3A_256 = tpu.memref_squeeze %dma_start3A_255 : memref<1x1x128xi32, #tpu.memory_space<hbm>> -> memref<1x128xi32, #tpu.memory_space<hbm>>
            %dma_start3A_257 = arith.constant 0 : i32
            %dma_start3A_258 = arith.constant 0 : i32
            %dma_start3A_259 = tpu.memref_slice %arg3[%add3A_252, %dma_start3A_257, %dma_start3A_258] : memref<2500x1x128xi32, #tpu.memory_space<hbm>> -> memref<1x1x128xi32, #tpu.memory_space<hbm>>
            %dma_start3A_260 = tpu.memref_squeeze %dma_start3A_259 : memref<1x1x128xi32, #tpu.memory_space<hbm>> -> memref<1x128xi32, #tpu.memory_space<hbm>>
            tpu.enqueue_dma source(%dma_start3A_260 : memref<1x128xi32, #tpu.memory_space<hbm>>) target(%arg11 : memref<1x128xi32, #tpu.memory_space<vmem>>) target_semaphore(%arg14 : memref<!tpu.dma_semaphore, #tpu.memory_space<semaphore_mem>>)
            %mul3A_261 = arith.constant 128 : i32
            %mul3A_262 = arith.muli %add3A_252, %mul3A_261 : i32
            %dma_start3A_263 = arith.constant 0 : i32
            %dma_start3A_264 = tpu.memref_slice %arg2[%mul3A_262, %dma_start3A_263] : memref<320000x128xf32, #tpu.memory_space<hbm>> -> memref<128x128xf32, #tpu.memory_space<hbm>>
            %dma_start3A_265 = arith.constant 0 : i32
            %dma_start3A_266 = tpu.memref_slice %arg2[%mul3A_262, %dma_start3A_265] : memref<320000x128xf32, #tpu.memory_space<hbm>> -> memref<128x128xf32, #tpu.memory_space<hbm>>
            tpu.enqueue_dma source(%dma_start3A_266 : memref<128x128xf32, #tpu.memory_space<hbm>>) target(%arg8 : memref<128x128xf32, #tpu.memory_space<vmem>>) target_semaphore(%arg14 : memref<!tpu.dma_semaphore, #tpu.memory_space<semaphore_mem>>)
          } else {
          }
        } else {
        }
        %mul3A_210 = arith.constant 3 : i32
        %mul3A_211 = arith.muli %mul3A_210, %scan3A_187 : i32
        %add3A_212 = arith.constant 2 : i32
        %add3A_213 = arith.addi %mul3A_211, %add3A_212 : i32
        %mul3A_214 = arith.constant 16 : i32
        %mul3A_215 = arith.muli %add3A_213, %mul3A_214 : i32
        %add3A_216 = arith.addi %arg1, %mul3A_215 : i32
        %lt3A_217 = arith.cmpi slt, %add3A_213, %select_n3A : i32
        %convert_element_type3A_218 = arith.extui %lt3A_217 : i1 to i32
        %cond3A_219 = arith.constant 0 : i32
        %cond3A_220 = arith.cmpi ne, %convert_element_type3A_218, %cond3A_219 : i32
        scf.if %cond3A_220 {
          %dma_wait3A = arith.constant 0 : i32
          %dma_wait3A_221 = arith.constant 0 : i32
          %dma_wait3A_222 = tpu.memref_slice %arg3[%add3A_216, %dma_wait3A, %dma_wait3A_221] : memref<2500x1x128xi32, #tpu.memory_space<hbm>> -> memref<1x1x128xi32, #tpu.memory_space<hbm>>
          %dma_wait3A_223 = tpu.memref_squeeze %dma_wait3A_222 : memref<1x1x128xi32, #tpu.memory_space<hbm>> -> memref<1x128xi32, #tpu.memory_space<hbm>>
          %dma_wait3A_224 = arith.constant 0 : i32
          %dma_wait3A_225 = arith.constant 0 : i32
          %dma_wait3A_226 = tpu.memref_slice %arg3[%add3A_216, %dma_wait3A_224, %dma_wait3A_225] : memref<2500x1x128xi32, #tpu.memory_space<hbm>> -> memref<1x1x128xi32, #tpu.memory_space<hbm>>
          %dma_wait3A_227 = tpu.memref_squeeze %dma_wait3A_226 : memref<1x1x128xi32, #tpu.memory_space<hbm>> -> memref<1x128xi32, #tpu.memory_space<hbm>>
          tpu.wait_dma2 semaphore(%arg16 : memref<!tpu.dma_semaphore, #tpu.memory_space<semaphore_mem>>) src(%dma_wait3A_227 : memref<1x128xi32, #tpu.memory_space<hbm>>) dst(%arg13 : memref<1x128xi32, #tpu.memory_space<vmem>>)
          %mul3A_228 = arith.constant 128 : i32
          %mul3A_229 = arith.muli %add3A_216, %mul3A_228 : i32
          %dma_wait3A_230 = arith.constant 0 : i32
          %dma_wait3A_231 = tpu.memref_slice %arg2[%mul3A_229, %dma_wait3A_230] : memref<320000x128xf32, #tpu.memory_space<hbm>> -> memref<128x128xf32, #tpu.memory_space<hbm>>
          %dma_wait3A_232 = arith.constant 0 : i32
          %dma_wait3A_233 = tpu.memref_slice %arg2[%mul3A_229, %dma_wait3A_232] : memref<320000x128xf32, #tpu.memory_space<hbm>> -> memref<128x128xf32, #tpu.memory_space<hbm>>
          tpu.wait_dma2 semaphore(%arg16 : memref<!tpu.dma_semaphore, #tpu.memory_space<semaphore_mem>>) src(%dma_wait3A_233 : memref<128x128xf32, #tpu.memory_space<hbm>>) dst(%arg10 : memref<128x128xf32, #tpu.memory_space<vmem>>)
          %ge3A = arith.constant 1 : i32
          %ge3A_234 = arith.cmpi sge, %add3A_213, %ge3A : i32
          %convert_element_type3A_235 = arith.extui %ge3A_234 : i1 to i32
          %cond3A_236 = arith.constant 0 : i32
          %cond3A_237 = arith.cmpi ne, %convert_element_type3A_235, %cond3A_236 : i32
          scf.if %cond3A_237 {
            %dma_wait3A_251 = arith.constant 0 : i32
            %dma_wait3A_252 = arith.constant 0 : i32
            %dma_wait3A_253 = tpu.memref_slice %arg12[%dma_wait3A_251, %dma_wait3A_252] : memref<1x128xi32, #tpu.memory_space<vmem>> -> memref<1x128xi32, #tpu.memory_space<vmem>>
            %dma_wait3A_254 = tpu.memref_squeeze %dma_wait3A_253 : memref<1x128xi32, #tpu.memory_space<vmem>> -> memref<128xi32, #tpu.memory_space<vmem>>
            %dma_wait3A_255 = arith.constant 0 : i32
            %dma_wait3A_256 = arith.constant 0 : i32
            %dma_wait3A_257 = tpu.memref_slice %arg7[%dma_wait3A_255, %dma_wait3A_256] : memref<10000x128xf32, #tpu.memory_space<vmem_shared>> -> memref<10000x128xf32, #tpu.memory_space<vmem_shared>>
            tpu.wait_indirect_dma semaphore(%arg18 : memref<!tpu.dma_semaphore, #tpu.memory_space<semaphore_mem>>) src(%arg9 : memref<128x128xf32, #tpu.memory_space<vmem>>) dst(%dma_wait3A_257 : memref<10000x128xf32, #tpu.memory_space<vmem_shared>>)
          } else {
          }
          %dma_start3A_238 = arith.constant 0 : i32
          %dma_start3A_239 = arith.constant 0 : i32
          %dma_start3A_240 = tpu.memref_slice %arg13[%dma_start3A_238, %dma_start3A_239] : memref<1x128xi32, #tpu.memory_space<vmem>> -> memref<1x128xi32, #tpu.memory_space<vmem>>
          %dma_start3A_241 = tpu.memref_squeeze %dma_start3A_240 : memref<1x128xi32, #tpu.memory_space<vmem>> -> memref<128xi32, #tpu.memory_space<vmem>>
          %dma_start3A_242 = arith.constant 0 : i32
          %dma_start3A_243 = arith.constant 0 : i32
          %dma_start3A_244 = tpu.memref_slice %arg7[%dma_start3A_242, %dma_start3A_243] : memref<10000x128xf32, #tpu.memory_space<vmem_shared>> -> memref<10000x128xf32, #tpu.memory_space<vmem_shared>>
          tpu.enqueue_indirect_dma source(%arg10 : memref<128x128xf32, #tpu.memory_space<vmem>>) target(%dma_start3A_244 : memref<10000x128xf32, #tpu.memory_space<vmem_shared>>) offsets(%dma_start3A_241 : memref<128xi32, #tpu.memory_space<vmem>>) semaphore(%arg19 : memref<!tpu.dma_semaphore, #tpu.memory_space<semaphore_mem>>) {add = true}
          %add3A_245 = arith.constant 2 : i32
          %add3A_246 = arith.addi %add3A_213, %add3A_245 : i32
          %lt3A_247 = arith.cmpi slt, %add3A_246, %select_n3A : i32
          %convert_element_type3A_248 = arith.extui %lt3A_247 : i1 to i32
          %cond3A_249 = arith.constant 0 : i32
          %cond3A_250 = arith.cmpi ne, %convert_element_type3A_248, %cond3A_249 : i32
          scf.if %cond3A_250 {
            %add3A_251 = arith.constant 32 : i32
            %add3A_252 = arith.addi %add3A_216, %add3A_251 : i32
            %dma_start3A_253 = arith.constant 0 : i32
            %dma_start3A_254 = arith.constant 0 : i32
            %dma_start3A_255 = tpu.memref_slice %arg3[%add3A_252, %dma_start3A_253, %dma_start3A_254] : memref<2500x1x128xi32, #tpu.memory_space<hbm>> -> memref<1x1x128xi32, #tpu.memory_space<hbm>>
            %dma_start3A_256 = tpu.memref_squeeze %dma_start3A_255 : memref<1x1x128xi32, #tpu.memory_space<hbm>> -> memref<1x128xi32, #tpu.memory_space<hbm>>
            %dma_start3A_257 = arith.constant 0 : i32
            %dma_start3A_258 = arith.constant 0 : i32
            %dma_start3A_259 = tpu.memref_slice %arg3[%add3A_252, %dma_start3A_257, %dma_start3A_258] : memref<2500x1x128xi32, #tpu.memory_space<hbm>> -> memref<1x1x128xi32, #tpu.memory_space<hbm>>
            %dma_start3A_260 = tpu.memref_squeeze %dma_start3A_259 : memref<1x1x128xi32, #tpu.memory_space<hbm>> -> memref<1x128xi32, #tpu.memory_space<hbm>>
            tpu.enqueue_dma source(%dma_start3A_260 : memref<1x128xi32, #tpu.memory_space<hbm>>) target(%arg12 : memref<1x128xi32, #tpu.memory_space<vmem>>) target_semaphore(%arg15 : memref<!tpu.dma_semaphore, #tpu.memory_space<semaphore_mem>>)
            %mul3A_261 = arith.constant 128 : i32
            %mul3A_262 = arith.muli %add3A_252, %mul3A_261 : i32
            %dma_start3A_263 = arith.constant 0 : i32
            %dma_start3A_264 = tpu.memref_slice %arg2[%mul3A_262, %dma_start3A_263] : memref<320000x128xf32, #tpu.memory_space<hbm>> -> memref<128x128xf32, #tpu.memory_space<hbm>>
            %dma_start3A_265 = arith.constant 0 : i32
            %dma_start3A_266 = tpu.memref_slice %arg2[%mul3A_262, %dma_start3A_265] : memref<320000x128xf32, #tpu.memory_space<hbm>> -> memref<128x128xf32, #tpu.memory_space<hbm>>
            tpu.enqueue_dma source(%dma_start3A_266 : memref<128x128xf32, #tpu.memory_space<hbm>>) target(%arg9 : memref<128x128xf32, #tpu.memory_space<vmem>>) target_semaphore(%arg15 : memref<!tpu.dma_semaphore, #tpu.memory_space<semaphore_mem>>)
          } else {
          }
        } else {
        }
      }
      %scan3A_121 = arith.constant 53 : i32
      %sub3A = arith.constant 1 : i32
      %sub3A_122 = arith.subi %select_n3A, %sub3A : i32
      %jit3A_123 = arith.constant 3 : i32
      %eq3A_124 = arith.constant 0 : i32
      %eq3A_125 = arith.cmpi eq, %jit3A_123, %eq3A_124 : i32
      %jit3A_126 = arith.constant 1 : i32
      %select_n3A_127 = arith.select %eq3A_125, %jit3A_126, %jit3A_123 : i32
      %rem3A = arith.remsi %sub3A_122, %select_n3A_127 : i32
      %ne3A = arith.constant 0 : i32
      %ne3A_128 = arith.cmpi ne, %rem3A, %ne3A : i32
      %lt3A_129 = arith.constant 0 : i32
      %lt3A_130 = arith.cmpi slt, %rem3A, %lt3A_129 : i32
      %lt3A_131 = arith.constant 0 : i32
      %lt3A_132 = arith.cmpi slt, %select_n3A_127, %lt3A_131 : i32
      %ne3A_133 = arith.xori %lt3A_130, %lt3A_132 : i1
      %and3A = arith.andi %ne3A_133, %ne3A_128 : i1
      %add3A_134 = arith.addi %rem3A, %select_n3A_127 : i32
      %select_n3A_135 = arith.select %and3A, %add3A_134, %rem3A : i32
      %eq3A_136 = arith.constant 0 : i32
      %eq3A_137 = arith.cmpi eq, %select_n3A_135, %eq3A_136 : i32
      %convert_element_type3A_138 = arith.extui %eq3A_137 : i1 to i32
      %cond3A_139 = arith.constant 0 : i32
      %cond3A_140 = arith.cmpi ne, %convert_element_type3A_138, %cond3A_139 : i32
      scf.if %cond3A_140 {
        %dma_wait3A = arith.constant 0 : i32
        %dma_wait3A_187 = arith.constant 0 : i32
        %dma_wait3A_188 = tpu.memref_slice %arg11[%dma_wait3A, %dma_wait3A_187] : memref<1x128xi32, #tpu.memory_space<vmem>> -> memref<1x128xi32, #tpu.memory_space<vmem>>
        %dma_wait3A_189 = tpu.memref_squeeze %dma_wait3A_188 : memref<1x128xi32, #tpu.memory_space<vmem>> -> memref<128xi32, #tpu.memory_space<vmem>>
        %dma_wait3A_190 = arith.constant 0 : i32
        %dma_wait3A_191 = arith.constant 0 : i32
        %dma_wait3A_192 = tpu.memref_slice %arg7[%dma_wait3A_190, %dma_wait3A_191] : memref<10000x128xf32, #tpu.memory_space<vmem_shared>> -> memref<10000x128xf32, #tpu.memory_space<vmem_shared>>
        tpu.wait_indirect_dma semaphore(%arg17 : memref<!tpu.dma_semaphore, #tpu.memory_space<semaphore_mem>>) src(%arg8 : memref<128x128xf32, #tpu.memory_space<vmem>>) dst(%dma_wait3A_192 : memref<10000x128xf32, #tpu.memory_space<vmem_shared>>)
      } else {
      }
      %sub3A_141 = arith.constant 1 : i32
      %sub3A_142 = arith.subi %select_n3A, %sub3A_141 : i32
      %jit3A_143 = arith.constant 3 : i32
      %eq3A_144 = arith.constant 0 : i32
      %eq3A_145 = arith.cmpi eq, %jit3A_143, %eq3A_144 : i32
      %jit3A_146 = arith.constant 1 : i32
      %select_n3A_147 = arith.select %eq3A_145, %jit3A_146, %jit3A_143 : i32
      %rem3A_148 = arith.remsi %sub3A_142, %select_n3A_147 : i32
      %ne3A_149 = arith.constant 0 : i32
      %ne3A_150 = arith.cmpi ne, %rem3A_148, %ne3A_149 : i32
      %lt3A_151 = arith.constant 0 : i32
      %lt3A_152 = arith.cmpi slt, %rem3A_148, %lt3A_151 : i32
      %lt3A_153 = arith.constant 0 : i32
      %lt3A_154 = arith.cmpi slt, %select_n3A_147, %lt3A_153 : i32
      %ne3A_155 = arith.xori %lt3A_152, %lt3A_154 : i1
      %and3A_156 = arith.andi %ne3A_155, %ne3A_150 : i1
      %add3A_157 = arith.addi %rem3A_148, %select_n3A_147 : i32
      %select_n3A_158 = arith.select %and3A_156, %add3A_157, %rem3A_148 : i32
      %eq3A_159 = arith.constant 1 : i32
      %eq3A_160 = arith.cmpi eq, %select_n3A_158, %eq3A_159 : i32
      %convert_element_type3A_161 = arith.extui %eq3A_160 : i1 to i32
      %cond3A_162 = arith.constant 0 : i32
      %cond3A_163 = arith.cmpi ne, %convert_element_type3A_161, %cond3A_162 : i32
      scf.if %cond3A_163 {
        %dma_wait3A = arith.constant 0 : i32
        %dma_wait3A_187 = arith.constant 0 : i32
        %dma_wait3A_188 = tpu.memref_slice %arg12[%dma_wait3A, %dma_wait3A_187] : memref<1x128xi32, #tpu.memory_space<vmem>> -> memref<1x128xi32, #tpu.memory_space<vmem>>
        %dma_wait3A_189 = tpu.memref_squeeze %dma_wait3A_188 : memref<1x128xi32, #tpu.memory_space<vmem>> -> memref<128xi32, #tpu.memory_space<vmem>>
        %dma_wait3A_190 = arith.constant 0 : i32
        %dma_wait3A_191 = arith.constant 0 : i32
        %dma_wait3A_192 = tpu.memref_slice %arg7[%dma_wait3A_190, %dma_wait3A_191] : memref<10000x128xf32, #tpu.memory_space<vmem_shared>> -> memref<10000x128xf32, #tpu.memory_space<vmem_shared>>
        tpu.wait_indirect_dma semaphore(%arg18 : memref<!tpu.dma_semaphore, #tpu.memory_space<semaphore_mem>>) src(%arg9 : memref<128x128xf32, #tpu.memory_space<vmem>>) dst(%dma_wait3A_192 : memref<10000x128xf32, #tpu.memory_space<vmem_shared>>)
      } else {
      }
      %sub3A_164 = arith.constant 1 : i32
      %sub3A_165 = arith.subi %select_n3A, %sub3A_164 : i32
      %jit3A_166 = arith.constant 3 : i32
      %eq3A_167 = arith.constant 0 : i32
      %eq3A_168 = arith.cmpi eq, %jit3A_166, %eq3A_167 : i32
      %jit3A_169 = arith.constant 1 : i32
      %select_n3A_170 = arith.select %eq3A_168, %jit3A_169, %jit3A_166 : i32
      %rem3A_171 = arith.remsi %sub3A_165, %select_n3A_170 : i32
      %ne3A_172 = arith.constant 0 : i32
      %ne3A_173 = arith.cmpi ne, %rem3A_171, %ne3A_172 : i32
      %lt3A_174 = arith.constant 0 : i32
      %lt3A_175 = arith.cmpi slt, %rem3A_171, %lt3A_174 : i32
      %lt3A_176 = arith.constant 0 : i32
      %lt3A_177 = arith.cmpi slt, %select_n3A_170, %lt3A_176 : i32
      %ne3A_178 = arith.xori %lt3A_175, %lt3A_177 : i1
      %and3A_179 = arith.andi %ne3A_178, %ne3A_173 : i1
      %add3A_180 = arith.addi %rem3A_171, %select_n3A_170 : i32
      %select_n3A_181 = arith.select %and3A_179, %add3A_180, %rem3A_171 : i32
      %eq3A_182 = arith.constant 2 : i32
      %eq3A_183 = arith.cmpi eq, %select_n3A_181, %eq3A_182 : i32
      %convert_element_type3A_184 = arith.extui %eq3A_183 : i1 to i32
      %cond3A_185 = arith.constant 0 : i32
      %cond3A_186 = arith.cmpi ne, %convert_element_type3A_184, %cond3A_185 : i32
      scf.if %cond3A_186 {
        %dma_wait3A = arith.constant 0 : i32
        %dma_wait3A_187 = arith.constant 0 : i32
        %dma_wait3A_188 = tpu.memref_slice %arg13[%dma_wait3A, %dma_wait3A_187] : memref<1x128xi32, #tpu.memory_space<vmem>> -> memref<1x128xi32, #tpu.memory_space<vmem>>
        %dma_wait3A_189 = tpu.memref_squeeze %dma_wait3A_188 : memref<1x128xi32, #tpu.memory_space<vmem>> -> memref<128xi32, #tpu.memory_space<vmem>>
        %dma_wait3A_190 = arith.constant 0 : i32
        %dma_wait3A_191 = arith.constant 0 : i32
        %dma_wait3A_192 = tpu.memref_slice %arg7[%dma_wait3A_190, %dma_wait3A_191] : memref<10000x128xf32, #tpu.memory_space<vmem_shared>> -> memref<10000x128xf32, #tpu.memory_space<vmem_shared>>
        tpu.wait_indirect_dma semaphore(%arg19 : memref<!tpu.dma_semaphore, #tpu.memory_space<semaphore_mem>>) src(%arg10 : memref<128x128xf32, #tpu.memory_space<vmem>>) dst(%dma_wait3A_192 : memref<10000x128xf32, #tpu.memory_space<vmem_shared>>)
      } else {
      }
    } else {
    }
    %eq3A_40 = arith.constant 1 : i32
    %eq3A_41 = arith.cmpi eq, %arg0, %eq3A_40 : i32
    %convert_element_type3A_42 = arith.extui %eq3A_41 : i1 to i32
    %cond3A_43 = arith.constant 0 : i32
    %cond3A_44 = arith.cmpi ne, %convert_element_type3A_42, %cond3A_43 : i32
    scf.if %cond3A_44 {
      "tpu.region"() ({
        %run_scoped3A = tpu.sem_alloc : memref<!tpu.dma_semaphore, #tpu.memory_space<semaphore_mem>>
        tpu.enqueue_dma source(%arg5 : memref<128x128xf32, #tpu.memory_space<hbm>>) target(%arg8 : memref<128x128xf32, #tpu.memory_space<vmem>>) target_semaphore(%run_scoped3A : memref<!tpu.dma_semaphore, #tpu.memory_space<semaphore_mem>>)
        tpu.wait_dma2 semaphore(%run_scoped3A : memref<!tpu.dma_semaphore, #tpu.memory_space<semaphore_mem>>) src(%arg5 : memref<128x128xf32, #tpu.memory_space<hbm>>) dst(%arg8 : memref<128x128xf32, #tpu.memory_space<vmem>>)
        tpu.yield
      }) : () -> ()
      %lt3A_86 = arith.constant 4 : i32
      %lt3A_87 = arith.cmpi slt, %arg1, %lt3A_86 : i32
      %jit3A = arith.constant 157 : i32
      %jit3A_88 = arith.constant 156 : i32
      %select_n3A = arith.select %lt3A_87, %jit3A, %jit3A_88 : i32
      %dma_start3A = arith.constant 0 : i32
      %dma_start3A_89 = arith.constant 0 : i32
      %dma_start3A_90 = tpu.memref_slice %arg3[%arg1, %dma_start3A, %dma_start3A_89] : memref<2500x1x128xi32, #tpu.memory_space<hbm>> -> memref<1x1x128xi32, #tpu.memory_space<hbm>>
      %dma_start3A_91 = tpu.memref_squeeze %dma_start3A_90 : memref<1x1x128xi32, #tpu.memory_space<hbm>> -> memref<1x128xi32, #tpu.memory_space<hbm>>
      %dma_start3A_92 = arith.constant 0 : i32
      %dma_start3A_93 = arith.constant 0 : i32
      %dma_start3A_94 = tpu.memref_slice %arg3[%arg1, %dma_start3A_92, %dma_start3A_93] : memref<2500x1x128xi32, #tpu.memory_space<hbm>> -> memref<1x1x128xi32, #tpu.memory_space<hbm>>
      %dma_start3A_95 = tpu.memref_squeeze %dma_start3A_94 : memref<1x1x128xi32, #tpu.memory_space<hbm>> -> memref<1x128xi32, #tpu.memory_space<hbm>>
      tpu.enqueue_dma source(%dma_start3A_95 : memref<1x128xi32, #tpu.memory_space<hbm>>) target(%arg11 : memref<1x128xi32, #tpu.memory_space<vmem>>) target_semaphore(%arg14 : memref<!tpu.dma_semaphore, #tpu.memory_space<semaphore_mem>>)
      %add3A_96 = arith.constant 16 : i32
      %add3A_97 = arith.addi %arg1, %add3A_96 : i32
      %dma_start3A_98 = arith.constant 0 : i32
      %dma_start3A_99 = arith.constant 0 : i32
      %dma_start3A_100 = tpu.memref_slice %arg3[%add3A_97, %dma_start3A_98, %dma_start3A_99] : memref<2500x1x128xi32, #tpu.memory_space<hbm>> -> memref<1x1x128xi32, #tpu.memory_space<hbm>>
      %dma_start3A_101 = tpu.memref_squeeze %dma_start3A_100 : memref<1x1x128xi32, #tpu.memory_space<hbm>> -> memref<1x128xi32, #tpu.memory_space<hbm>>
      %dma_start3A_102 = arith.constant 0 : i32
      %dma_start3A_103 = arith.constant 0 : i32
      %dma_start3A_104 = tpu.memref_slice %arg3[%add3A_97, %dma_start3A_102, %dma_start3A_103] : memref<2500x1x128xi32, #tpu.memory_space<hbm>> -> memref<1x1x128xi32, #tpu.memory_space<hbm>>
      %dma_start3A_105 = tpu.memref_squeeze %dma_start3A_104 : memref<1x1x128xi32, #tpu.memory_space<hbm>> -> memref<1x128xi32, #tpu.memory_space<hbm>>
      tpu.enqueue_dma source(%dma_start3A_105 : memref<1x128xi32, #tpu.memory_space<hbm>>) target(%arg12 : memref<1x128xi32, #tpu.memory_space<vmem>>) target_semaphore(%arg15 : memref<!tpu.dma_semaphore, #tpu.memory_space<semaphore_mem>>)
      %scan3A = arith.constant 0 : i32
      %scan3A_106 = arith.constant 0 : i32
      %scan3A_107 = arith.constant 79 : i32
      %scan3A_108 = arith.addi %scan3A_106, %scan3A_107 : i32
      %scan3A_109 = arith.constant 1 : i32
      scf.for %scan3A_111 = %scan3A_106 to %scan3A_108 step %scan3A_109  : i32 {
        %mul3A = arith.constant 2 : i32
        %mul3A_112 = arith.muli %mul3A, %scan3A_111 : i32
        %add3A_113 = arith.constant 0 : i32
        %add3A_114 = arith.addi %mul3A_112, %add3A_113 : i32
        %mul3A_115 = arith.constant 16 : i32
        %mul3A_116 = arith.muli %add3A_114, %mul3A_115 : i32
        %add3A_117 = arith.addi %arg1, %mul3A_116 : i32
        %lt3A_118 = arith.cmpi slt, %add3A_114, %select_n3A : i32
        %convert_element_type3A_119 = arith.extui %lt3A_118 : i1 to i32
        %cond3A_120 = arith.constant 0 : i32
        %cond3A_121 = arith.cmpi ne, %convert_element_type3A_119, %cond3A_120 : i32
        scf.if %cond3A_121 {
          %dma_wait3A = arith.constant 0 : i32
          %dma_wait3A_133 = arith.constant 0 : i32
          %dma_wait3A_134 = tpu.memref_slice %arg3[%add3A_117, %dma_wait3A, %dma_wait3A_133] : memref<2500x1x128xi32, #tpu.memory_space<hbm>> -> memref<1x1x128xi32, #tpu.memory_space<hbm>>
          %dma_wait3A_135 = tpu.memref_squeeze %dma_wait3A_134 : memref<1x1x128xi32, #tpu.memory_space<hbm>> -> memref<1x128xi32, #tpu.memory_space<hbm>>
          %dma_wait3A_136 = arith.constant 0 : i32
          %dma_wait3A_137 = arith.constant 0 : i32
          %dma_wait3A_138 = tpu.memref_slice %arg3[%add3A_117, %dma_wait3A_136, %dma_wait3A_137] : memref<2500x1x128xi32, #tpu.memory_space<hbm>> -> memref<1x1x128xi32, #tpu.memory_space<hbm>>
          %dma_wait3A_139 = tpu.memref_squeeze %dma_wait3A_138 : memref<1x1x128xi32, #tpu.memory_space<hbm>> -> memref<1x128xi32, #tpu.memory_space<hbm>>
          tpu.wait_dma2 semaphore(%arg14 : memref<!tpu.dma_semaphore, #tpu.memory_space<semaphore_mem>>) src(%dma_wait3A_139 : memref<1x128xi32, #tpu.memory_space<hbm>>) dst(%arg11 : memref<1x128xi32, #tpu.memory_space<vmem>>)
          %run_scoped3A = arith.constant 0 : i32
          "tpu.region"() ({
            %run_scoped3A_146 = tpu.sem_alloc : memref<!tpu.dma_semaphore, #tpu.memory_space<semaphore_mem>>
            %dma_start3A_147 = arith.constant 0 : i32
            %dma_start3A_148 = tpu.memref_slice %arg11[%run_scoped3A, %dma_start3A_147] : memref<1x128xi32, #tpu.memory_space<vmem>> -> memref<1x128xi32, #tpu.memory_space<vmem>>
            %dma_start3A_149 = tpu.memref_squeeze %dma_start3A_148 : memref<1x128xi32, #tpu.memory_space<vmem>> -> memref<128xi32, #tpu.memory_space<vmem>>
            %dma_start3A_150 = arith.constant 0 : i32
            %dma_start3A_151 = arith.constant 0 : i32
            %dma_start3A_152 = tpu.memref_slice %arg7[%dma_start3A_150, %dma_start3A_151] : memref<10000x128xf32, #tpu.memory_space<vmem_shared>> -> memref<10000x128xf32, #tpu.memory_space<vmem_shared>>
            tpu.enqueue_indirect_dma source(%arg8 : memref<128x128xf32, #tpu.memory_space<vmem>>) target(%dma_start3A_152 : memref<10000x128xf32, #tpu.memory_space<vmem_shared>>) offsets(%dma_start3A_149 : memref<128xi32, #tpu.memory_space<vmem>>) semaphore(%run_scoped3A_146 : memref<!tpu.dma_semaphore, #tpu.memory_space<semaphore_mem>>) {add = true}
            %dma_wait3A_153 = arith.constant 0 : i32
            %dma_wait3A_154 = tpu.memref_slice %arg11[%run_scoped3A, %dma_wait3A_153] : memref<1x128xi32, #tpu.memory_space<vmem>> -> memref<1x128xi32, #tpu.memory_space<vmem>>
            %dma_wait3A_155 = tpu.memref_squeeze %dma_wait3A_154 : memref<1x128xi32, #tpu.memory_space<vmem>> -> memref<128xi32, #tpu.memory_space<vmem>>
            %dma_wait3A_156 = arith.constant 0 : i32
            %dma_wait3A_157 = arith.constant 0 : i32
            %dma_wait3A_158 = tpu.memref_slice %arg7[%dma_wait3A_156, %dma_wait3A_157] : memref<10000x128xf32, #tpu.memory_space<vmem_shared>> -> memref<10000x128xf32, #tpu.memory_space<vmem_shared>>
            tpu.wait_indirect_dma semaphore(%run_scoped3A_146 : memref<!tpu.dma_semaphore, #tpu.memory_space<semaphore_mem>>) src(%arg8 : memref<128x128xf32, #tpu.memory_space<vmem>>) dst(%dma_wait3A_158 : memref<10000x128xf32, #tpu.memory_space<vmem_shared>>)
            tpu.yield
          }) : () -> ()
          %add3A_140 = arith.constant 2 : i32
          %add3A_141 = arith.addi %add3A_114, %add3A_140 : i32
          %lt3A_142 = arith.cmpi slt, %add3A_141, %select_n3A : i32
          %convert_element_type3A_143 = arith.extui %lt3A_142 : i1 to i32
          %cond3A_144 = arith.constant 0 : i32
          %cond3A_145 = arith.cmpi ne, %convert_element_type3A_143, %cond3A_144 : i32
          scf.if %cond3A_145 {
            %add3A_146 = arith.constant 32 : i32
            %add3A_147 = arith.addi %add3A_117, %add3A_146 : i32
            %dma_start3A_148 = arith.constant 0 : i32
            %dma_start3A_149 = arith.constant 0 : i32
            %dma_start3A_150 = tpu.memref_slice %arg3[%add3A_147, %dma_start3A_148, %dma_start3A_149] : memref<2500x1x128xi32, #tpu.memory_space<hbm>> -> memref<1x1x128xi32, #tpu.memory_space<hbm>>
            %dma_start3A_151 = tpu.memref_squeeze %dma_start3A_150 : memref<1x1x128xi32, #tpu.memory_space<hbm>> -> memref<1x128xi32, #tpu.memory_space<hbm>>
            %dma_start3A_152 = arith.constant 0 : i32
            %dma_start3A_153 = arith.constant 0 : i32
            %dma_start3A_154 = tpu.memref_slice %arg3[%add3A_147, %dma_start3A_152, %dma_start3A_153] : memref<2500x1x128xi32, #tpu.memory_space<hbm>> -> memref<1x1x128xi32, #tpu.memory_space<hbm>>
            %dma_start3A_155 = tpu.memref_squeeze %dma_start3A_154 : memref<1x1x128xi32, #tpu.memory_space<hbm>> -> memref<1x128xi32, #tpu.memory_space<hbm>>
            tpu.enqueue_dma source(%dma_start3A_155 : memref<1x128xi32, #tpu.memory_space<hbm>>) target(%arg11 : memref<1x128xi32, #tpu.memory_space<vmem>>) target_semaphore(%arg14 : memref<!tpu.dma_semaphore, #tpu.memory_space<semaphore_mem>>)
          } else {
          }
        } else {
        }
        %mul3A_122 = arith.constant 2 : i32
        %mul3A_123 = arith.muli %mul3A_122, %scan3A_111 : i32
        %add3A_124 = arith.constant 1 : i32
        %add3A_125 = arith.addi %mul3A_123, %add3A_124 : i32
        %mul3A_126 = arith.constant 16 : i32
        %mul3A_127 = arith.muli %add3A_125, %mul3A_126 : i32
        %add3A_128 = arith.addi %arg1, %mul3A_127 : i32
        %lt3A_129 = arith.cmpi slt, %add3A_125, %select_n3A : i32
        %convert_element_type3A_130 = arith.extui %lt3A_129 : i1 to i32
        %cond3A_131 = arith.constant 0 : i32
        %cond3A_132 = arith.cmpi ne, %convert_element_type3A_130, %cond3A_131 : i32
        scf.if %cond3A_132 {
          %dma_wait3A = arith.constant 0 : i32
          %dma_wait3A_133 = arith.constant 0 : i32
          %dma_wait3A_134 = tpu.memref_slice %arg3[%add3A_128, %dma_wait3A, %dma_wait3A_133] : memref<2500x1x128xi32, #tpu.memory_space<hbm>> -> memref<1x1x128xi32, #tpu.memory_space<hbm>>
          %dma_wait3A_135 = tpu.memref_squeeze %dma_wait3A_134 : memref<1x1x128xi32, #tpu.memory_space<hbm>> -> memref<1x128xi32, #tpu.memory_space<hbm>>
          %dma_wait3A_136 = arith.constant 0 : i32
          %dma_wait3A_137 = arith.constant 0 : i32
          %dma_wait3A_138 = tpu.memref_slice %arg3[%add3A_128, %dma_wait3A_136, %dma_wait3A_137] : memref<2500x1x128xi32, #tpu.memory_space<hbm>> -> memref<1x1x128xi32, #tpu.memory_space<hbm>>
          %dma_wait3A_139 = tpu.memref_squeeze %dma_wait3A_138 : memref<1x1x128xi32, #tpu.memory_space<hbm>> -> memref<1x128xi32, #tpu.memory_space<hbm>>
          tpu.wait_dma2 semaphore(%arg15 : memref<!tpu.dma_semaphore, #tpu.memory_space<semaphore_mem>>) src(%dma_wait3A_139 : memref<1x128xi32, #tpu.memory_space<hbm>>) dst(%arg12 : memref<1x128xi32, #tpu.memory_space<vmem>>)
          %run_scoped3A = arith.constant 0 : i32
          "tpu.region"() ({
            %run_scoped3A_146 = tpu.sem_alloc : memref<!tpu.dma_semaphore, #tpu.memory_space<semaphore_mem>>
            %dma_start3A_147 = arith.constant 0 : i32
            %dma_start3A_148 = tpu.memref_slice %arg12[%run_scoped3A, %dma_start3A_147] : memref<1x128xi32, #tpu.memory_space<vmem>> -> memref<1x128xi32, #tpu.memory_space<vmem>>
            %dma_start3A_149 = tpu.memref_squeeze %dma_start3A_148 : memref<1x128xi32, #tpu.memory_space<vmem>> -> memref<128xi32, #tpu.memory_space<vmem>>
            %dma_start3A_150 = arith.constant 0 : i32
            %dma_start3A_151 = arith.constant 0 : i32
            %dma_start3A_152 = tpu.memref_slice %arg7[%dma_start3A_150, %dma_start3A_151] : memref<10000x128xf32, #tpu.memory_space<vmem_shared>> -> memref<10000x128xf32, #tpu.memory_space<vmem_shared>>
            tpu.enqueue_indirect_dma source(%arg8 : memref<128x128xf32, #tpu.memory_space<vmem>>) target(%dma_start3A_152 : memref<10000x128xf32, #tpu.memory_space<vmem_shared>>) offsets(%dma_start3A_149 : memref<128xi32, #tpu.memory_space<vmem>>) semaphore(%run_scoped3A_146 : memref<!tpu.dma_semaphore, #tpu.memory_space<semaphore_mem>>) {add = true}
            %dma_wait3A_153 = arith.constant 0 : i32
            %dma_wait3A_154 = tpu.memref_slice %arg12[%run_scoped3A, %dma_wait3A_153] : memref<1x128xi32, #tpu.memory_space<vmem>> -> memref<1x128xi32, #tpu.memory_space<vmem>>
            %dma_wait3A_155 = tpu.memref_squeeze %dma_wait3A_154 : memref<1x128xi32, #tpu.memory_space<vmem>> -> memref<128xi32, #tpu.memory_space<vmem>>
            %dma_wait3A_156 = arith.constant 0 : i32
            %dma_wait3A_157 = arith.constant 0 : i32
            %dma_wait3A_158 = tpu.memref_slice %arg7[%dma_wait3A_156, %dma_wait3A_157] : memref<10000x128xf32, #tpu.memory_space<vmem_shared>> -> memref<10000x128xf32, #tpu.memory_space<vmem_shared>>
            tpu.wait_indirect_dma semaphore(%run_scoped3A_146 : memref<!tpu.dma_semaphore, #tpu.memory_space<semaphore_mem>>) src(%arg8 : memref<128x128xf32, #tpu.memory_space<vmem>>) dst(%dma_wait3A_158 : memref<10000x128xf32, #tpu.memory_space<vmem_shared>>)
            tpu.yield
          }) : () -> ()
          %add3A_140 = arith.constant 2 : i32
          %add3A_141 = arith.addi %add3A_125, %add3A_140 : i32
          %lt3A_142 = arith.cmpi slt, %add3A_141, %select_n3A : i32
          %convert_element_type3A_143 = arith.extui %lt3A_142 : i1 to i32
          %cond3A_144 = arith.constant 0 : i32
          %cond3A_145 = arith.cmpi ne, %convert_element_type3A_143, %cond3A_144 : i32
          scf.if %cond3A_145 {
            %add3A_146 = arith.constant 32 : i32
            %add3A_147 = arith.addi %add3A_128, %add3A_146 : i32
            %dma_start3A_148 = arith.constant 0 : i32
            %dma_start3A_149 = arith.constant 0 : i32
            %dma_start3A_150 = tpu.memref_slice %arg3[%add3A_147, %dma_start3A_148, %dma_start3A_149] : memref<2500x1x128xi32, #tpu.memory_space<hbm>> -> memref<1x1x128xi32, #tpu.memory_space<hbm>>
            %dma_start3A_151 = tpu.memref_squeeze %dma_start3A_150 : memref<1x1x128xi32, #tpu.memory_space<hbm>> -> memref<1x128xi32, #tpu.memory_space<hbm>>
            %dma_start3A_152 = arith.constant 0 : i32
            %dma_start3A_153 = arith.constant 0 : i32
            %dma_start3A_154 = tpu.memref_slice %arg3[%add3A_147, %dma_start3A_152, %dma_start3A_153] : memref<2500x1x128xi32, #tpu.memory_space<hbm>> -> memref<1x1x128xi32, #tpu.memory_space<hbm>>
            %dma_start3A_155 = tpu.memref_squeeze %dma_start3A_154 : memref<1x1x128xi32, #tpu.memory_space<hbm>> -> memref<1x128xi32, #tpu.memory_space<hbm>>
            tpu.enqueue_dma source(%dma_start3A_155 : memref<1x128xi32, #tpu.memory_space<hbm>>) target(%arg12 : memref<1x128xi32, #tpu.memory_space<vmem>>) target_semaphore(%arg15 : memref<!tpu.dma_semaphore, #tpu.memory_space<semaphore_mem>>)
          } else {
          }
        } else {
        }
      }
      %scan3A_110 = arith.constant 79 : i32
    } else {
    }
    %barrier3A_45 = arith.constant 0 : index
    tpu.barrier barrier_id(%barrier3A_45)
    %add3A_46 = arith.constant 0 : i32
    %add3A_47 = arith.addi %arg1, %add3A_46 : i32
    %lt3A_48 = arith.constant 78 : i32
    %lt3A_49 = arith.cmpi slt, %add3A_47, %lt3A_48 : i32
    %convert_element_type3A_50 = arith.extui %lt3A_49 : i1 to i32
    %cond3A_51 = arith.constant 0 : i32
    %cond3A_52 = arith.cmpi ne, %convert_element_type3A_50, %cond3A_51 : i32
    scf.if %cond3A_52 {
      %mul3A = arith.constant 128 : i32
      %mul3A_86 = arith.muli %add3A_47, %mul3A : i32
      "tpu.region"() ({
        %run_scoped3A = tpu.sem_alloc : memref<!tpu.dma_semaphore, #tpu.memory_space<semaphore_mem>>
        %dma_start3A = arith.constant 0 : i32
        %dma_start3A_89 = tpu.memref_slice %arg7[%mul3A_86, %dma_start3A] : memref<10000x128xf32, #tpu.memory_space<vmem_shared>> -> memref<128x128xf32, #tpu.memory_space<vmem_shared>>
        %dma_start3A_90 = arith.constant 0 : i32
        %dma_start3A_91 = tpu.memref_slice %arg7[%mul3A_86, %dma_start3A_90] : memref<10000x128xf32, #tpu.memory_space<vmem_shared>> -> memref<128x128xf32, #tpu.memory_space<vmem_shared>>
        tpu.enqueue_dma source(%dma_start3A_91 : memref<128x128xf32, #tpu.memory_space<vmem_shared>>) target(%arg9 : memref<128x128xf32, #tpu.memory_space<vmem>>) target_semaphore(%run_scoped3A : memref<!tpu.dma_semaphore, #tpu.memory_space<semaphore_mem>>)
        %dma_wait3A = arith.constant 0 : i32
        %dma_wait3A_92 = tpu.memref_slice %arg7[%mul3A_86, %dma_wait3A] : memref<10000x128xf32, #tpu.memory_space<vmem_shared>> -> memref<128x128xf32, #tpu.memory_space<vmem_shared>>
        %dma_wait3A_93 = arith.constant 0 : i32
        %dma_wait3A_94 = tpu.memref_slice %arg7[%mul3A_86, %dma_wait3A_93] : memref<10000x128xf32, #tpu.memory_space<vmem_shared>> -> memref<128x128xf32, #tpu.memory_space<vmem_shared>>
        tpu.wait_dma2 semaphore(%run_scoped3A : memref<!tpu.dma_semaphore, #tpu.memory_space<semaphore_mem>>) src(%dma_wait3A_94 : memref<128x128xf32, #tpu.memory_space<vmem_shared>>) dst(%arg9 : memref<128x128xf32, #tpu.memory_space<vmem>>)
        tpu.yield
      }) : () -> ()
      %mul3A_87 = arith.constant 128 : i32
      %mul3A_88 = arith.muli %add3A_47, %mul3A_87 : i32
      "tpu.region"() ({
        %run_scoped3A = tpu.sem_alloc : memref<!tpu.dma_semaphore, #tpu.memory_space<semaphore_mem>>
        %dma_start3A = arith.constant 0 : i32
        %dma_start3A_89 = tpu.memref_slice %arg6[%arg0, %mul3A_88, %dma_start3A] : memref<2x10000x128xf32, #tpu.memory_space<hbm>> -> memref<1x128x128xf32, #tpu.memory_space<hbm>>
        %dma_start3A_90 = tpu.memref_squeeze %dma_start3A_89 : memref<1x128x128xf32, #tpu.memory_space<hbm>> -> memref<128x128xf32, #tpu.memory_space<hbm>>
        %dma_start3A_91 = arith.constant 0 : i32
        %dma_start3A_92 = tpu.memref_slice %arg6[%arg0, %mul3A_88, %dma_start3A_91] : memref<2x10000x128xf32, #tpu.memory_space<hbm>> -> memref<1x128x128xf32, #tpu.memory_space<hbm>>
        %dma_start3A_93 = tpu.memref_squeeze %dma_start3A_92 : memref<1x128x128xf32, #tpu.memory_space<hbm>> -> memref<128x128xf32, #tpu.memory_space<hbm>>
        tpu.enqueue_dma source(%arg9 : memref<128x128xf32, #tpu.memory_space<vmem>>) target(%dma_start3A_93 : memref<128x128xf32, #tpu.memory_space<hbm>>) target_semaphore(%run_scoped3A : memref<!tpu.dma_semaphore, #tpu.memory_space<semaphore_mem>>)
        %dma_wait3A = arith.constant 0 : i32
        %dma_wait3A_94 = tpu.memref_slice %arg6[%arg0, %mul3A_88, %dma_wait3A] : memref<2x10000x128xf32, #tpu.memory_space<hbm>> -> memref<1x128x128xf32, #tpu.memory_space<hbm>>
        %dma_wait3A_95 = tpu.memref_squeeze %dma_wait3A_94 : memref<1x128x128xf32, #tpu.memory_space<hbm>> -> memref<128x128xf32, #tpu.memory_space<hbm>>
        %dma_wait3A_96 = arith.constant 0 : i32
        %dma_wait3A_97 = tpu.memref_slice %arg6[%arg0, %mul3A_88, %dma_wait3A_96] : memref<2x10000x128xf32, #tpu.memory_space<hbm>> -> memref<1x128x128xf32, #tpu.memory_space<hbm>>
        %dma_wait3A_98 = tpu.memref_squeeze %dma_wait3A_97 : memref<1x128x128xf32, #tpu.memory_space<hbm>> -> memref<128x128xf32, #tpu.memory_space<hbm>>
        tpu.wait_dma2 semaphore(%run_scoped3A : memref<!tpu.dma_semaphore, #tpu.memory_space<semaphore_mem>>) src(%arg9 : memref<128x128xf32, #tpu.memory_space<vmem>>) dst(%dma_wait3A_98 : memref<128x128xf32, #tpu.memory_space<hbm>>)
        tpu.yield
      }) : () -> ()
    } else {
    }
    %add3A_53 = arith.constant 16 : i32
    %add3A_54 = arith.addi %arg1, %add3A_53 : i32
    %lt3A_55 = arith.constant 78 : i32
    %lt3A_56 = arith.cmpi slt, %add3A_54, %lt3A_55 : i32
    %convert_element_type3A_57 = arith.extui %lt3A_56 : i1 to i32
    %cond3A_58 = arith.constant 0 : i32
    %cond3A_59 = arith.cmpi ne, %convert_element_type3A_57, %cond3A_58 : i32
    scf.if %cond3A_59 {
      %mul3A = arith.constant 128 : i32
      %mul3A_86 = arith.muli %add3A_54, %mul3A : i32
      "tpu.region"() ({
        %run_scoped3A = tpu.sem_alloc : memref<!tpu.dma_semaphore, #tpu.memory_space<semaphore_mem>>
        %dma_start3A = arith.constant 0 : i32
        %dma_start3A_89 = tpu.memref_slice %arg7[%mul3A_86, %dma_start3A] : memref<10000x128xf32, #tpu.memory_space<vmem_shared>> -> memref<128x128xf32, #tpu.memory_space<vmem_shared>>
        %dma_start3A_90 = arith.constant 0 : i32
        %dma_start3A_91 = tpu.memref_slice %arg7[%mul3A_86, %dma_start3A_90] : memref<10000x128xf32, #tpu.memory_space<vmem_shared>> -> memref<128x128xf32, #tpu.memory_space<vmem_shared>>
        tpu.enqueue_dma source(%dma_start3A_91 : memref<128x128xf32, #tpu.memory_space<vmem_shared>>) target(%arg9 : memref<128x128xf32, #tpu.memory_space<vmem>>) target_semaphore(%run_scoped3A : memref<!tpu.dma_semaphore, #tpu.memory_space<semaphore_mem>>)
        %dma_wait3A = arith.constant 0 : i32
        %dma_wait3A_92 = tpu.memref_slice %arg7[%mul3A_86, %dma_wait3A] : memref<10000x128xf32, #tpu.memory_space<vmem_shared>> -> memref<128x128xf32, #tpu.memory_space<vmem_shared>>
        %dma_wait3A_93 = arith.constant 0 : i32
        %dma_wait3A_94 = tpu.memref_slice %arg7[%mul3A_86, %dma_wait3A_93] : memref<10000x128xf32, #tpu.memory_space<vmem_shared>> -> memref<128x128xf32, #tpu.memory_space<vmem_shared>>
        tpu.wait_dma2 semaphore(%run_scoped3A : memref<!tpu.dma_semaphore, #tpu.memory_space<semaphore_mem>>) src(%dma_wait3A_94 : memref<128x128xf32, #tpu.memory_space<vmem_shared>>) dst(%arg9 : memref<128x128xf32, #tpu.memory_space<vmem>>)
        tpu.yield
      }) : () -> ()
      %mul3A_87 = arith.constant 128 : i32
      %mul3A_88 = arith.muli %add3A_54, %mul3A_87 : i32
      "tpu.region"() ({
        %run_scoped3A = tpu.sem_alloc : memref<!tpu.dma_semaphore, #tpu.memory_space<semaphore_mem>>
        %dma_start3A = arith.constant 0 : i32
        %dma_start3A_89 = tpu.memref_slice %arg6[%arg0, %mul3A_88, %dma_start3A] : memref<2x10000x128xf32, #tpu.memory_space<hbm>> -> memref<1x128x128xf32, #tpu.memory_space<hbm>>
        %dma_start3A_90 = tpu.memref_squeeze %dma_start3A_89 : memref<1x128x128xf32, #tpu.memory_space<hbm>> -> memref<128x128xf32, #tpu.memory_space<hbm>>
        %dma_start3A_91 = arith.constant 0 : i32
        %dma_start3A_92 = tpu.memref_slice %arg6[%arg0, %mul3A_88, %dma_start3A_91] : memref<2x10000x128xf32, #tpu.memory_space<hbm>> -> memref<1x128x128xf32, #tpu.memory_space<hbm>>
        %dma_start3A_93 = tpu.memref_squeeze %dma_start3A_92 : memref<1x128x128xf32, #tpu.memory_space<hbm>> -> memref<128x128xf32, #tpu.memory_space<hbm>>
        tpu.enqueue_dma source(%arg9 : memref<128x128xf32, #tpu.memory_space<vmem>>) target(%dma_start3A_93 : memref<128x128xf32, #tpu.memory_space<hbm>>) target_semaphore(%run_scoped3A : memref<!tpu.dma_semaphore, #tpu.memory_space<semaphore_mem>>)
        %dma_wait3A = arith.constant 0 : i32
        %dma_wait3A_94 = tpu.memref_slice %arg6[%arg0, %mul3A_88, %dma_wait3A] : memref<2x10000x128xf32, #tpu.memory_space<hbm>> -> memref<1x128x128xf32, #tpu.memory_space<hbm>>
        %dma_wait3A_95 = tpu.memref_squeeze %dma_wait3A_94 : memref<1x128x128xf32, #tpu.memory_space<hbm>> -> memref<128x128xf32, #tpu.memory_space<hbm>>
        %dma_wait3A_96 = arith.constant 0 : i32
        %dma_wait3A_97 = tpu.memref_slice %arg6[%arg0, %mul3A_88, %dma_wait3A_96] : memref<2x10000x128xf32, #tpu.memory_space<hbm>> -> memref<1x128x128xf32, #tpu.memory_space<hbm>>
        %dma_wait3A_98 = tpu.memref_squeeze %dma_wait3A_97 : memref<1x128x128xf32, #tpu.memory_space<hbm>> -> memref<128x128xf32, #tpu.memory_space<hbm>>
        tpu.wait_dma2 semaphore(%run_scoped3A : memref<!tpu.dma_semaphore, #tpu.memory_space<semaphore_mem>>) src(%arg9 : memref<128x128xf32, #tpu.memory_space<vmem>>) dst(%dma_wait3A_98 : memref<128x128xf32, #tpu.memory_space<hbm>>)
        tpu.yield
      }) : () -> ()
    } else {
    }
    %add3A_60 = arith.constant 32 : i32
    %add3A_61 = arith.addi %arg1, %add3A_60 : i32
    %lt3A_62 = arith.constant 78 : i32
    %lt3A_63 = arith.cmpi slt, %add3A_61, %lt3A_62 : i32
    %convert_element_type3A_64 = arith.extui %lt3A_63 : i1 to i32
    %cond3A_65 = arith.constant 0 : i32
    %cond3A_66 = arith.cmpi ne, %convert_element_type3A_64, %cond3A_65 : i32
    scf.if %cond3A_66 {
      %mul3A = arith.constant 128 : i32
      %mul3A_86 = arith.muli %add3A_61, %mul3A : i32
      "tpu.region"() ({
        %run_scoped3A = tpu.sem_alloc : memref<!tpu.dma_semaphore, #tpu.memory_space<semaphore_mem>>
        %dma_start3A = arith.constant 0 : i32
        %dma_start3A_89 = tpu.memref_slice %arg7[%mul3A_86, %dma_start3A] : memref<10000x128xf32, #tpu.memory_space<vmem_shared>> -> memref<128x128xf32, #tpu.memory_space<vmem_shared>>
        %dma_start3A_90 = arith.constant 0 : i32
        %dma_start3A_91 = tpu.memref_slice %arg7[%mul3A_86, %dma_start3A_90] : memref<10000x128xf32, #tpu.memory_space<vmem_shared>> -> memref<128x128xf32, #tpu.memory_space<vmem_shared>>
        tpu.enqueue_dma source(%dma_start3A_91 : memref<128x128xf32, #tpu.memory_space<vmem_shared>>) target(%arg9 : memref<128x128xf32, #tpu.memory_space<vmem>>) target_semaphore(%run_scoped3A : memref<!tpu.dma_semaphore, #tpu.memory_space<semaphore_mem>>)
        %dma_wait3A = arith.constant 0 : i32
        %dma_wait3A_92 = tpu.memref_slice %arg7[%mul3A_86, %dma_wait3A] : memref<10000x128xf32, #tpu.memory_space<vmem_shared>> -> memref<128x128xf32, #tpu.memory_space<vmem_shared>>
        %dma_wait3A_93 = arith.constant 0 : i32
        %dma_wait3A_94 = tpu.memref_slice %arg7[%mul3A_86, %dma_wait3A_93] : memref<10000x128xf32, #tpu.memory_space<vmem_shared>> -> memref<128x128xf32, #tpu.memory_space<vmem_shared>>
        tpu.wait_dma2 semaphore(%run_scoped3A : memref<!tpu.dma_semaphore, #tpu.memory_space<semaphore_mem>>) src(%dma_wait3A_94 : memref<128x128xf32, #tpu.memory_space<vmem_shared>>) dst(%arg9 : memref<128x128xf32, #tpu.memory_space<vmem>>)
        tpu.yield
      }) : () -> ()
      %mul3A_87 = arith.constant 128 : i32
      %mul3A_88 = arith.muli %add3A_61, %mul3A_87 : i32
      "tpu.region"() ({
        %run_scoped3A = tpu.sem_alloc : memref<!tpu.dma_semaphore, #tpu.memory_space<semaphore_mem>>
        %dma_start3A = arith.constant 0 : i32
        %dma_start3A_89 = tpu.memref_slice %arg6[%arg0, %mul3A_88, %dma_start3A] : memref<2x10000x128xf32, #tpu.memory_space<hbm>> -> memref<1x128x128xf32, #tpu.memory_space<hbm>>
        %dma_start3A_90 = tpu.memref_squeeze %dma_start3A_89 : memref<1x128x128xf32, #tpu.memory_space<hbm>> -> memref<128x128xf32, #tpu.memory_space<hbm>>
        %dma_start3A_91 = arith.constant 0 : i32
        %dma_start3A_92 = tpu.memref_slice %arg6[%arg0, %mul3A_88, %dma_start3A_91] : memref<2x10000x128xf32, #tpu.memory_space<hbm>> -> memref<1x128x128xf32, #tpu.memory_space<hbm>>
        %dma_start3A_93 = tpu.memref_squeeze %dma_start3A_92 : memref<1x128x128xf32, #tpu.memory_space<hbm>> -> memref<128x128xf32, #tpu.memory_space<hbm>>
        tpu.enqueue_dma source(%arg9 : memref<128x128xf32, #tpu.memory_space<vmem>>) target(%dma_start3A_93 : memref<128x128xf32, #tpu.memory_space<hbm>>) target_semaphore(%run_scoped3A : memref<!tpu.dma_semaphore, #tpu.memory_space<semaphore_mem>>)
        %dma_wait3A = arith.constant 0 : i32
        %dma_wait3A_94 = tpu.memref_slice %arg6[%arg0, %mul3A_88, %dma_wait3A] : memref<2x10000x128xf32, #tpu.memory_space<hbm>> -> memref<1x128x128xf32, #tpu.memory_space<hbm>>
        %dma_wait3A_95 = tpu.memref_squeeze %dma_wait3A_94 : memref<1x128x128xf32, #tpu.memory_space<hbm>> -> memref<128x128xf32, #tpu.memory_space<hbm>>
        %dma_wait3A_96 = arith.constant 0 : i32
        %dma_wait3A_97 = tpu.memref_slice %arg6[%arg0, %mul3A_88, %dma_wait3A_96] : memref<2x10000x128xf32, #tpu.memory_space<hbm>> -> memref<1x128x128xf32, #tpu.memory_space<hbm>>
        %dma_wait3A_98 = tpu.memref_squeeze %dma_wait3A_97 : memref<1x128x128xf32, #tpu.memory_space<hbm>> -> memref<128x128xf32, #tpu.memory_space<hbm>>
        tpu.wait_dma2 semaphore(%run_scoped3A : memref<!tpu.dma_semaphore, #tpu.memory_space<semaphore_mem>>) src(%arg9 : memref<128x128xf32, #tpu.memory_space<vmem>>) dst(%dma_wait3A_98 : memref<128x128xf32, #tpu.memory_space<hbm>>)
        tpu.yield
      }) : () -> ()
    } else {
    }
    %add3A_67 = arith.constant 48 : i32
    %add3A_68 = arith.addi %arg1, %add3A_67 : i32
    %lt3A_69 = arith.constant 78 : i32
    %lt3A_70 = arith.cmpi slt, %add3A_68, %lt3A_69 : i32
    %convert_element_type3A_71 = arith.extui %lt3A_70 : i1 to i32
    %cond3A_72 = arith.constant 0 : i32
    %cond3A_73 = arith.cmpi ne, %convert_element_type3A_71, %cond3A_72 : i32
    scf.if %cond3A_73 {
      %mul3A = arith.constant 128 : i32
      %mul3A_86 = arith.muli %add3A_68, %mul3A : i32
      "tpu.region"() ({
        %run_scoped3A = tpu.sem_alloc : memref<!tpu.dma_semaphore, #tpu.memory_space<semaphore_mem>>
        %dma_start3A = arith.constant 0 : i32
        %dma_start3A_89 = tpu.memref_slice %arg7[%mul3A_86, %dma_start3A] : memref<10000x128xf32, #tpu.memory_space<vmem_shared>> -> memref<128x128xf32, #tpu.memory_space<vmem_shared>>
        %dma_start3A_90 = arith.constant 0 : i32
        %dma_start3A_91 = tpu.memref_slice %arg7[%mul3A_86, %dma_start3A_90] : memref<10000x128xf32, #tpu.memory_space<vmem_shared>> -> memref<128x128xf32, #tpu.memory_space<vmem_shared>>
        tpu.enqueue_dma source(%dma_start3A_91 : memref<128x128xf32, #tpu.memory_space<vmem_shared>>) target(%arg9 : memref<128x128xf32, #tpu.memory_space<vmem>>) target_semaphore(%run_scoped3A : memref<!tpu.dma_semaphore, #tpu.memory_space<semaphore_mem>>)
        %dma_wait3A = arith.constant 0 : i32
        %dma_wait3A_92 = tpu.memref_slice %arg7[%mul3A_86, %dma_wait3A] : memref<10000x128xf32, #tpu.memory_space<vmem_shared>> -> memref<128x128xf32, #tpu.memory_space<vmem_shared>>
        %dma_wait3A_93 = arith.constant 0 : i32
        %dma_wait3A_94 = tpu.memref_slice %arg7[%mul3A_86, %dma_wait3A_93] : memref<10000x128xf32, #tpu.memory_space<vmem_shared>> -> memref<128x128xf32, #tpu.memory_space<vmem_shared>>
        tpu.wait_dma2 semaphore(%run_scoped3A : memref<!tpu.dma_semaphore, #tpu.memory_space<semaphore_mem>>) src(%dma_wait3A_94 : memref<128x128xf32, #tpu.memory_space<vmem_shared>>) dst(%arg9 : memref<128x128xf32, #tpu.memory_space<vmem>>)
        tpu.yield
      }) : () -> ()
      %mul3A_87 = arith.constant 128 : i32
      %mul3A_88 = arith.muli %add3A_68, %mul3A_87 : i32
      "tpu.region"() ({
        %run_scoped3A = tpu.sem_alloc : memref<!tpu.dma_semaphore, #tpu.memory_space<semaphore_mem>>
        %dma_start3A = arith.constant 0 : i32
        %dma_start3A_89 = tpu.memref_slice %arg6[%arg0, %mul3A_88, %dma_start3A] : memref<2x10000x128xf32, #tpu.memory_space<hbm>> -> memref<1x128x128xf32, #tpu.memory_space<hbm>>
        %dma_start3A_90 = tpu.memref_squeeze %dma_start3A_89 : memref<1x128x128xf32, #tpu.memory_space<hbm>> -> memref<128x128xf32, #tpu.memory_space<hbm>>
        %dma_start3A_91 = arith.constant 0 : i32
        %dma_start3A_92 = tpu.memref_slice %arg6[%arg0, %mul3A_88, %dma_start3A_91] : memref<2x10000x128xf32, #tpu.memory_space<hbm>> -> memref<1x128x128xf32, #tpu.memory_space<hbm>>
        %dma_start3A_93 = tpu.memref_squeeze %dma_start3A_92 : memref<1x128x128xf32, #tpu.memory_space<hbm>> -> memref<128x128xf32, #tpu.memory_space<hbm>>
        tpu.enqueue_dma source(%arg9 : memref<128x128xf32, #tpu.memory_space<vmem>>) target(%dma_start3A_93 : memref<128x128xf32, #tpu.memory_space<hbm>>) target_semaphore(%run_scoped3A : memref<!tpu.dma_semaphore, #tpu.memory_space<semaphore_mem>>)
        %dma_wait3A = arith.constant 0 : i32
        %dma_wait3A_94 = tpu.memref_slice %arg6[%arg0, %mul3A_88, %dma_wait3A] : memref<2x10000x128xf32, #tpu.memory_space<hbm>> -> memref<1x128x128xf32, #tpu.memory_space<hbm>>
        %dma_wait3A_95 = tpu.memref_squeeze %dma_wait3A_94 : memref<1x128x128xf32, #tpu.memory_space<hbm>> -> memref<128x128xf32, #tpu.memory_space<hbm>>
        %dma_wait3A_96 = arith.constant 0 : i32
        %dma_wait3A_97 = tpu.memref_slice %arg6[%arg0, %mul3A_88, %dma_wait3A_96] : memref<2x10000x128xf32, #tpu.memory_space<hbm>> -> memref<1x128x128xf32, #tpu.memory_space<hbm>>
        %dma_wait3A_98 = tpu.memref_squeeze %dma_wait3A_97 : memref<1x128x128xf32, #tpu.memory_space<hbm>> -> memref<128x128xf32, #tpu.memory_space<hbm>>
        tpu.wait_dma2 semaphore(%run_scoped3A : memref<!tpu.dma_semaphore, #tpu.memory_space<semaphore_mem>>) src(%arg9 : memref<128x128xf32, #tpu.memory_space<vmem>>) dst(%dma_wait3A_98 : memref<128x128xf32, #tpu.memory_space<hbm>>)
        tpu.yield
      }) : () -> ()
    } else {
    }
    %add3A_74 = arith.constant 64 : i32
    %add3A_75 = arith.addi %arg1, %add3A_74 : i32
    %lt3A_76 = arith.constant 78 : i32
    %lt3A_77 = arith.cmpi slt, %add3A_75, %lt3A_76 : i32
    %convert_element_type3A_78 = arith.extui %lt3A_77 : i1 to i32
    %cond3A_79 = arith.constant 0 : i32
    %cond3A_80 = arith.cmpi ne, %convert_element_type3A_78, %cond3A_79 : i32
    scf.if %cond3A_80 {
      %mul3A = arith.constant 128 : i32
      %mul3A_86 = arith.muli %add3A_75, %mul3A : i32
      "tpu.region"() ({
        %run_scoped3A = tpu.sem_alloc : memref<!tpu.dma_semaphore, #tpu.memory_space<semaphore_mem>>
        %dma_start3A = arith.constant 0 : i32
        %dma_start3A_89 = tpu.memref_slice %arg7[%mul3A_86, %dma_start3A] : memref<10000x128xf32, #tpu.memory_space<vmem_shared>> -> memref<128x128xf32, #tpu.memory_space<vmem_shared>>
        %dma_start3A_90 = arith.constant 0 : i32
        %dma_start3A_91 = tpu.memref_slice %arg7[%mul3A_86, %dma_start3A_90] : memref<10000x128xf32, #tpu.memory_space<vmem_shared>> -> memref<128x128xf32, #tpu.memory_space<vmem_shared>>
        tpu.enqueue_dma source(%dma_start3A_91 : memref<128x128xf32, #tpu.memory_space<vmem_shared>>) target(%arg9 : memref<128x128xf32, #tpu.memory_space<vmem>>) target_semaphore(%run_scoped3A : memref<!tpu.dma_semaphore, #tpu.memory_space<semaphore_mem>>)
        %dma_wait3A = arith.constant 0 : i32
        %dma_wait3A_92 = tpu.memref_slice %arg7[%mul3A_86, %dma_wait3A] : memref<10000x128xf32, #tpu.memory_space<vmem_shared>> -> memref<128x128xf32, #tpu.memory_space<vmem_shared>>
        %dma_wait3A_93 = arith.constant 0 : i32
        %dma_wait3A_94 = tpu.memref_slice %arg7[%mul3A_86, %dma_wait3A_93] : memref<10000x128xf32, #tpu.memory_space<vmem_shared>> -> memref<128x128xf32, #tpu.memory_space<vmem_shared>>
        tpu.wait_dma2 semaphore(%run_scoped3A : memref<!tpu.dma_semaphore, #tpu.memory_space<semaphore_mem>>) src(%dma_wait3A_94 : memref<128x128xf32, #tpu.memory_space<vmem_shared>>) dst(%arg9 : memref<128x128xf32, #tpu.memory_space<vmem>>)
        tpu.yield
      }) : () -> ()
      %mul3A_87 = arith.constant 128 : i32
      %mul3A_88 = arith.muli %add3A_75, %mul3A_87 : i32
      "tpu.region"() ({
        %run_scoped3A = tpu.sem_alloc : memref<!tpu.dma_semaphore, #tpu.memory_space<semaphore_mem>>
        %dma_start3A = arith.constant 0 : i32
        %dma_start3A_89 = tpu.memref_slice %arg6[%arg0, %mul3A_88, %dma_start3A] : memref<2x10000x128xf32, #tpu.memory_space<hbm>> -> memref<1x128x128xf32, #tpu.memory_space<hbm>>
        %dma_start3A_90 = tpu.memref_squeeze %dma_start3A_89 : memref<1x128x128xf32, #tpu.memory_space<hbm>> -> memref<128x128xf32, #tpu.memory_space<hbm>>
        %dma_start3A_91 = arith.constant 0 : i32
        %dma_start3A_92 = tpu.memref_slice %arg6[%arg0, %mul3A_88, %dma_start3A_91] : memref<2x10000x128xf32, #tpu.memory_space<hbm>> -> memref<1x128x128xf32, #tpu.memory_space<hbm>>
        %dma_start3A_93 = tpu.memref_squeeze %dma_start3A_92 : memref<1x128x128xf32, #tpu.memory_space<hbm>> -> memref<128x128xf32, #tpu.memory_space<hbm>>
        tpu.enqueue_dma source(%arg9 : memref<128x128xf32, #tpu.memory_space<vmem>>) target(%dma_start3A_93 : memref<128x128xf32, #tpu.memory_space<hbm>>) target_semaphore(%run_scoped3A : memref<!tpu.dma_semaphore, #tpu.memory_space<semaphore_mem>>)
        %dma_wait3A = arith.constant 0 : i32
        %dma_wait3A_94 = tpu.memref_slice %arg6[%arg0, %mul3A_88, %dma_wait3A] : memref<2x10000x128xf32, #tpu.memory_space<hbm>> -> memref<1x128x128xf32, #tpu.memory_space<hbm>>
        %dma_wait3A_95 = tpu.memref_squeeze %dma_wait3A_94 : memref<1x128x128xf32, #tpu.memory_space<hbm>> -> memref<128x128xf32, #tpu.memory_space<hbm>>
        %dma_wait3A_96 = arith.constant 0 : i32
        %dma_wait3A_97 = tpu.memref_slice %arg6[%arg0, %mul3A_88, %dma_wait3A_96] : memref<2x10000x128xf32, #tpu.memory_space<hbm>> -> memref<1x128x128xf32, #tpu.memory_space<hbm>>
        %dma_wait3A_98 = tpu.memref_squeeze %dma_wait3A_97 : memref<1x128x128xf32, #tpu.memory_space<hbm>> -> memref<128x128xf32, #tpu.memory_space<hbm>>
        tpu.wait_dma2 semaphore(%run_scoped3A : memref<!tpu.dma_semaphore, #tpu.memory_space<semaphore_mem>>) src(%arg9 : memref<128x128xf32, #tpu.memory_space<vmem>>) dst(%dma_wait3A_98 : memref<128x128xf32, #tpu.memory_space<hbm>>)
        tpu.yield
      }) : () -> ()
    } else {
    }
    %eq3A_81 = arith.constant 14 : i32
    %eq3A_82 = arith.cmpi eq, %arg1, %eq3A_81 : i32
    %convert_element_type3A_83 = arith.extui %eq3A_82 : i1 to i32
    %cond3A_84 = arith.constant 0 : i32
    %cond3A_85 = arith.cmpi ne, %convert_element_type3A_83, %cond3A_84 : i32
    scf.if %cond3A_85 {
      "tpu.region"() ({
        %run_scoped3A = tpu.sem_alloc : memref<!tpu.dma_semaphore, #tpu.memory_space<semaphore_mem>>
        %dma_start3A = arith.constant 0 : i32
        %dma_start3A_86 = arith.constant 0 : i32
        %dma_start3A_87 = tpu.memref_slice %arg9[%dma_start3A, %dma_start3A_86] : memref<128x128xf32, #tpu.memory_space<vmem>> -> memref<16x128xf32, #tpu.memory_space<vmem>>
        %dma_start3A_88 = arith.constant 9984 : i32
        %dma_start3A_89 = arith.constant 0 : i32
        %dma_start3A_90 = tpu.memref_slice %arg7[%dma_start3A_88, %dma_start3A_89] : memref<10000x128xf32, #tpu.memory_space<vmem_shared>> -> memref<16x128xf32, #tpu.memory_space<vmem_shared>>
        %dma_start3A_91 = arith.constant 0 : i32
        %dma_start3A_92 = arith.constant 0 : i32
        %dma_start3A_93 = tpu.memref_slice %arg9[%dma_start3A_91, %dma_start3A_92] : memref<128x128xf32, #tpu.memory_space<vmem>> -> memref<16x128xf32, #tpu.memory_space<vmem>>
        %dma_start3A_94 = arith.constant 9984 : i32
        %dma_start3A_95 = arith.constant 0 : i32
        %dma_start3A_96 = tpu.memref_slice %arg7[%dma_start3A_94, %dma_start3A_95] : memref<10000x128xf32, #tpu.memory_space<vmem_shared>> -> memref<16x128xf32, #tpu.memory_space<vmem_shared>>
        tpu.enqueue_dma source(%dma_start3A_96 : memref<16x128xf32, #tpu.memory_space<vmem_shared>>) target(%dma_start3A_93 : memref<16x128xf32, #tpu.memory_space<vmem>>) target_semaphore(%run_scoped3A : memref<!tpu.dma_semaphore, #tpu.memory_space<semaphore_mem>>)
        %dma_wait3A = arith.constant 0 : i32
        %dma_wait3A_97 = arith.constant 0 : i32
        %dma_wait3A_98 = tpu.memref_slice %arg9[%dma_wait3A, %dma_wait3A_97] : memref<128x128xf32, #tpu.memory_space<vmem>> -> memref<16x128xf32, #tpu.memory_space<vmem>>
        %dma_wait3A_99 = arith.constant 9984 : i32
        %dma_wait3A_100 = arith.constant 0 : i32
        %dma_wait3A_101 = tpu.memref_slice %arg7[%dma_wait3A_99, %dma_wait3A_100] : memref<10000x128xf32, #tpu.memory_space<vmem_shared>> -> memref<16x128xf32, #tpu.memory_space<vmem_shared>>
        %dma_wait3A_102 = arith.constant 0 : i32
        %dma_wait3A_103 = arith.constant 0 : i32
        %dma_wait3A_104 = tpu.memref_slice %arg9[%dma_wait3A_102, %dma_wait3A_103] : memref<128x128xf32, #tpu.memory_space<vmem>> -> memref<16x128xf32, #tpu.memory_space<vmem>>
        %dma_wait3A_105 = arith.constant 9984 : i32
        %dma_wait3A_106 = arith.constant 0 : i32
        %dma_wait3A_107 = tpu.memref_slice %arg7[%dma_wait3A_105, %dma_wait3A_106] : memref<10000x128xf32, #tpu.memory_space<vmem_shared>> -> memref<16x128xf32, #tpu.memory_space<vmem_shared>>
        tpu.wait_dma2 semaphore(%run_scoped3A : memref<!tpu.dma_semaphore, #tpu.memory_space<semaphore_mem>>) src(%dma_wait3A_107 : memref<16x128xf32, #tpu.memory_space<vmem_shared>>) dst(%dma_wait3A_104 : memref<16x128xf32, #tpu.memory_space<vmem>>)
        tpu.yield
      }) : () -> ()
      "tpu.region"() ({
        %run_scoped3A = tpu.sem_alloc : memref<!tpu.dma_semaphore, #tpu.memory_space<semaphore_mem>>
        %dma_start3A = arith.constant 0 : i32
        %dma_start3A_86 = arith.constant 0 : i32
        %dma_start3A_87 = tpu.memref_slice %arg9[%dma_start3A, %dma_start3A_86] : memref<128x128xf32, #tpu.memory_space<vmem>> -> memref<16x128xf32, #tpu.memory_space<vmem>>
        %dma_start3A_88 = arith.constant 9984 : i32
        %dma_start3A_89 = arith.constant 0 : i32
        %dma_start3A_90 = tpu.memref_slice %arg6[%arg0, %dma_start3A_88, %dma_start3A_89] : memref<2x10000x128xf32, #tpu.memory_space<hbm>> -> memref<1x16x128xf32, #tpu.memory_space<hbm>>
        %dma_start3A_91 = tpu.memref_squeeze %dma_start3A_90 : memref<1x16x128xf32, #tpu.memory_space<hbm>> -> memref<16x128xf32, #tpu.memory_space<hbm>>
        %dma_start3A_92 = arith.constant 9984 : i32
        %dma_start3A_93 = arith.constant 0 : i32
        %dma_start3A_94 = tpu.memref_slice %arg6[%arg0, %dma_start3A_92, %dma_start3A_93] : memref<2x10000x128xf32, #tpu.memory_space<hbm>> -> memref<1x16x128xf32, #tpu.memory_space<hbm>>
        %dma_start3A_95 = tpu.memref_squeeze %dma_start3A_94 : memref<1x16x128xf32, #tpu.memory_space<hbm>> -> memref<16x128xf32, #tpu.memory_space<hbm>>
        %dma_start3A_96 = arith.constant 0 : i32
        %dma_start3A_97 = arith.constant 0 : i32
        %dma_start3A_98 = tpu.memref_slice %arg9[%dma_start3A_96, %dma_start3A_97] : memref<128x128xf32, #tpu.memory_space<vmem>> -> memref<16x128xf32, #tpu.memory_space<vmem>>
        tpu.enqueue_dma source(%dma_start3A_98 : memref<16x128xf32, #tpu.memory_space<vmem>>) target(%dma_start3A_95 : memref<16x128xf32, #tpu.memory_space<hbm>>) target_semaphore(%run_scoped3A : memref<!tpu.dma_semaphore, #tpu.memory_space<semaphore_mem>>)
        %dma_wait3A = arith.constant 0 : i32
        %dma_wait3A_99 = arith.constant 0 : i32
        %dma_wait3A_100 = tpu.memref_slice %arg9[%dma_wait3A, %dma_wait3A_99] : memref<128x128xf32, #tpu.memory_space<vmem>> -> memref<16x128xf32, #tpu.memory_space<vmem>>
        %dma_wait3A_101 = arith.constant 9984 : i32
        %dma_wait3A_102 = arith.constant 0 : i32
        %dma_wait3A_103 = tpu.memref_slice %arg6[%arg0, %dma_wait3A_101, %dma_wait3A_102] : memref<2x10000x128xf32, #tpu.memory_space<hbm>> -> memref<1x16x128xf32, #tpu.memory_space<hbm>>
        %dma_wait3A_104 = tpu.memref_squeeze %dma_wait3A_103 : memref<1x16x128xf32, #tpu.memory_space<hbm>> -> memref<16x128xf32, #tpu.memory_space<hbm>>
        %dma_wait3A_105 = arith.constant 9984 : i32
        %dma_wait3A_106 = arith.constant 0 : i32
        %dma_wait3A_107 = tpu.memref_slice %arg6[%arg0, %dma_wait3A_105, %dma_wait3A_106] : memref<2x10000x128xf32, #tpu.memory_space<hbm>> -> memref<1x16x128xf32, #tpu.memory_space<hbm>>
        %dma_wait3A_108 = tpu.memref_squeeze %dma_wait3A_107 : memref<1x16x128xf32, #tpu.memory_space<hbm>> -> memref<16x128xf32, #tpu.memory_space<hbm>>
        %dma_wait3A_109 = arith.constant 0 : i32
        %dma_wait3A_110 = arith.constant 0 : i32
        %dma_wait3A_111 = tpu.memref_slice %arg9[%dma_wait3A_109, %dma_wait3A_110] : memref<128x128xf32, #tpu.memory_space<vmem>> -> memref<16x128xf32, #tpu.memory_space<vmem>>
        tpu.wait_dma2 semaphore(%run_scoped3A : memref<!tpu.dma_semaphore, #tpu.memory_space<semaphore_mem>>) src(%dma_wait3A_111 : memref<16x128xf32, #tpu.memory_space<vmem>>) dst(%dma_wait3A_108 : memref<16x128xf32, #tpu.memory_space<hbm>>)
        tpu.yield
      }) : () -> ()
    } else {
    }
    return
  }
}

module attributes {stable_mosaic.version = 14 : i64} {
  func.func @body(%arg0: i32, %arg1: memref<2x1000x128xf32, #tpu.memory_space<vmem>>, %arg2: memref<1000x128xf32, #tpu.memory_space<vmem>>) attributes {dimension_semantics = [#tpu.dimension_semantics<arbitrary>], iteration_bounds = array<i64: 10>, scalar_prefetch = 0 : i64, scratch_operands = 0 : i64, tpu.core_type = #tpu.core_type<tc>, window_params = [{transform_indices = @transform_0, window_bounds = array<i64: 2, 1000, 128>}, {transform_indices = @transform_1, window_bounds = array<i64: 1000, 128>}]} {
    %get3A = arith.constant 0 : index
    %get3A_0 = arith.constant 0 : index
    %get3A_1 = arith.constant 0 : index
    %get3A_2 = vector.load %arg1[%get3A, %get3A_0, %get3A_1] : memref<2x1000x128xf32, #tpu.memory_space<vmem>>, vector<1x1000x128xf32>
    %get3A_3 = vector.shape_cast %get3A_2 : vector<1x1000x128xf32> to vector<1000x128xf32>
    %get3A_4 = arith.constant 1 : index
    %get3A_5 = arith.constant 0 : index
    %get3A_6 = arith.constant 0 : index
    %get3A_7 = vector.load %arg1[%get3A_4, %get3A_5, %get3A_6] : memref<2x1000x128xf32, #tpu.memory_space<vmem>>, vector<1x1000x1xf32>
    %get3A_8 = vector.shape_cast %get3A_7 : vector<1x1000x1xf32> to vector<1000x1xf32>
    %gt3A = arith.constant 0.000000e+00 : f32
    %gt3A_9 = vector.broadcast %gt3A : f32 to vector<1000x1xf32>
    %gt3A_10 = arith.cmpf ogt, %get3A_8, %gt3A_9 : vector<1000x1xf32>
    %max3A = arith.constant 1.000000e+00 : f32
    %max3A_11 = vector.broadcast %max3A : f32 to vector<1000x1xf32>
    %max3A_12 = arith.maximumf %get3A_8, %max3A_11 : vector<1000x1xf32>
    %div3A = vector.broadcast %max3A_12 : vector<1000x1xf32> to vector<1000x128xf32>
    %div3A_13 = arith.divf %get3A_3, %div3A : vector<1000x128xf32>
    %jit3A = arith.constant 0.000000e+00 : f32
    %broadcast_in_dim3A = vector.shape_cast %gt3A_10 : vector<1000x1xi1> to vector<1000x1xi1>
    %broadcast_in_dim3A_14 = vector.broadcast %broadcast_in_dim3A : vector<1000x1xi1> to vector<1000x128xi1>
    %broadcast_in_dim3A_15 = vector.broadcast %jit3A : f32 to vector<1000x128xf32>
    %select_n3A = arith.select %broadcast_in_dim3A_14, %div3A_13, %broadcast_in_dim3A_15 : vector<1000x128xi1>, vector<1000x128xf32>
    %swap3A = arith.constant 0 : index
    %swap3A_16 = arith.constant 0 : index
    %swap3A_17 = vector.load %arg2[%swap3A, %swap3A_16] : memref<1000x128xf32, #tpu.memory_space<vmem>>, vector<1000x128xf32>
    tpu.vector_store %arg2[%swap3A, %swap3A_16], %select_n3A {strides = array<i32>} : memref<1000x128xf32, #tpu.memory_space<vmem>>, vector<1000x128xf32>,
    return
  }
  func.func @transform_0(%arg0: i32) -> (i32, i32, i32) {
    %c0_i32 = arith.constant 0 : i32
    %c0_i32_0 = arith.constant 0 : i32
    %c0_i32_1 = arith.constant 0 : i32
    return %c0_i32, %arg0, %c0_i32_0 : i32, i32, i32
  }
  func.func @transform_1(%arg0: i32) -> (i32, i32) {
    %c0_i32 = arith.constant 0 : i32
    %c0_i32_0 = arith.constant 0 : i32
    return %arg0, %c0_i32 : i32, i32
  }
}

</mosaic_0001>

<sc_bundles>
// kernel: kernel.4.cloned.1.call-start
scs
__scs_entry_jumppad:
0x0: {  	(pc) =	sbr.rel $0x88, $3  }
0x1: {  	(tag) =	ssettag $0x0;
	lr =	simm.s32 $0x1  }
0x2: {  	[smem:$0x3F9F] =	sst lr;
	_ =	strace $0xD0000000  }
0x3: {  	_ = 	snop  }
0x4: {  	_ = 	snop  }
0x5: {  	_ = 	snop  }
0x6: {  	_ = 	snop  }
0x7: {  	_ = 	snop  }
__scs_overlays_trampoline_lowered:
0x8: {  	[smem:$0x3FAE] =	sst s0  }
0x9: {  	[smem:$0x3FAF] =	sst s1  }
0xa: {  	[smem:$0x3FB0] =	sst s2  }
0xb: {  	[smem:$0x3FB1] =	sst s3  }
0xc: {  	[smem:$0x3FB2] =	sst s4  }
0xd: {  	[smem:$0x3FB3] =	sst s5  }
0xe: {  	[smem:$0x3FB4] =	sst s6  }
0xf: {  	[smem:$0x3FB5] =	sst s7  }
0x10: {  	[smem:$0x3FB6] =	sst s8  }
0x11: {  	[smem:$0x3FB7] =	sst s9;
	s0 =	simm.s32 @!p0 $0x0  }
0x12: {  	s1 =	sld [smem:$0x3F9D];
	s0 =	simm.s32 @p0 $0x1  }
0x13: {  	[smem:$0x3FB8] =	sst s0;
	s0 =	simm.s32 @!p1 $0x0  }
0x14: {  	s2 =	sld [smem:$0x3F9C];
	s0 =	simm.s32 @p1 $0x1  }
0x15: {  	[smem:$0x3FB9] =	sst s0;
	s0 =	simm.s32 @!p2 $0x0  }
0x16: {  	s3 =	sld [smem:$0x3FDB];
	s0 =	simm.s32 @p2 $0x1  }
0x17: {  	s4 =	simm.s32 $0x1BF5;
	[smem:$0x3FBB] =	sst s0  }
0x18: {  	s0 =	sld [smem:$0x3F9E];
	_ =	swait.ge [sflag:s4], $0x0  }
0x19: {  	s7 =	sld [smem:$0x3F9F]  }
0x1a: {  	s8 =	sadd.s32 $0xFFFFE003, lr  }
0x1b: {  	s9 =	sadd.s32 $0xFFFFFEF7, lr;
	s5 =	simm.s32 $0xFFFFFFFF;
	p2 =	slt.u32 s8, $0xFFFFF086  }
0x1c: {  	p1 =	slt.u32 s9, $0xF7A;
	s5 =	simm.s32 @!p2 $0x0  }
0x1d: {  	s5 =	simm.s32 @p1 $0x1;
	p0 =	seq.s32 s7, s2  }
0x1e: {  	s7 =	smul.u32 @!p0 $0xF7A, s2;
	p2 =	seq.s32 @!p0 s5, $0x0  }
0x1f: {  	s9 =	smul.u32 $0xF7A, s1;
	s8 =	simm.s32 @!p0 $0x1BF5;
	p2 =	por !p2, p0  }
0x20: {  	[sflag:s8] =	ssyncset.s32 @!p0 $0xFFFFF086;
	s6 =	sadd.s32 @!p0 s3, s7;
	s7 =	simm.s32 @!p0 $0x108  }
0x21: {  	s3 =	sadd.s32 s3, s9;
	s6 =	sadd.s32 @!p0 $0x88, s6;
	s7 =	simm.s32 @p2 $0x1082  }
0x22: {  	[simem:s7], [sflag:s8] =	dma.local @!p0 [hbm:s6], $0xF7A  }
0x23: {  	s9 =	sor.u32 $0xD0000000, s2;
	s6 =	simm.s32 $0x108;
	_ =	swait.ge @!p0 [sflag:s8], $0x0  }
0x24: {  	s3 =	sadd.s32 $0x88, s3;
	s6 =	simm.s32 @!p1 $0x1082;
	[sflag:s4] =	ssyncset.s32 $0xFFFFF086  }
0x25: {  	[simem:s6], [sflag:s4] =	dma.local [hbm:s3], $0xF7A  }
0x26: {  	[smem:$0x3F9F] =	sst s1;
	(tag) =	ssettag s2;
	_ =	strace s9  }
0x27: {  	s1 =	sld [smem:$0x3FAF]  }
0x28: {  	s2 =	sld [smem:$0x3FB0]  }
0x29: {  	s4 =	sld [smem:$0x3FB2]  }
0x2a: {  	p0 =	seq.s32 s5, $0x0;
	s5 =	sld [smem:$0x3FB3]  }
0x2b: {  	s6 =	sld [smem:$0x3FB4]  }
0x2c: {  	s7 =	sld [smem:$0x3FB5]  }
0x2d: {  	s3 =	simm.s32 $0x108;
	s8 =	sld [smem:$0x3FB6]  }
0x2e: {  	s3 =	simm.s32 @!p0 $0x1082;
	s9 =	sld [smem:$0x3FB7]  }
0x2f: {  	lr =	sadd.s32 s0, s3;
	s0 =	sld [smem:$0x3FAE]  }
0x30: {  	s3 =	sld [smem:$0x3FB1]  }
0x31: {  	[smem:$0x3FBA] =	sst s10  }
0x32: {  	s10 =	sld [smem:$0x3FB8];
	_ =	sdelay $0x3  }
0x33: {  	p0 =	seq.s32 s10, $0x1;
	s10 =	sld [smem:$0x3FBA];
	_ =	sdelay $0x3  }
0x34: {  	[smem:$0x3FBA] =	sst s10  }
0x35: {  	s10 =	sld [smem:$0x3FB9];
	_ =	sdelay $0x3  }
0x36: {  	p1 =	seq.s32 s10, $0x1;
	s10 =	sld [smem:$0x3FBA];
	_ =	sdelay $0x3  }
0x37: {  	[smem:$0x3FBA] =	sst s10  }
0x38: {  	s10 =	sld [smem:$0x3FBB]  }
0x39: {  	_ = 	snop;
	(pc) =	sbr.ind lr, $3  }
0x3a: {  	_ = 	snop  }
0x3b: {  	_ = 	snop  }
0x3c: {  	p2 =	seq.s32 s10, $0x1;
	s10 =	sld [smem:$0x3FBA]  }
0x3d: {  	_ =	shalt  }
0x3e: {  	_ =	shalt  }
0x3f: {  	_ =	shalt  }
0x40: {  	_ =	shalt  }
0x41: {  	_ =	shalt  }
0x42: {  	_ =	shalt  }
0x43: {  	_ =	shalt  }
0x44: {  	_ =	shalt  }
0x45: {  	_ =	shalt  }
0x46: {  	_ =	shalt  }
0x47: {  	_ =	shalt  }
0x48: {  	_ =	shalt  }
0x49: {  	_ =	shalt  }
0x4a: {  	_ =	shalt  }
0x4b: {  	_ =	shalt  }
0x4c: {  	_ =	shalt  }
0x4d: {  	_ =	shalt  }
0x4e: {  	_ =	shalt  }
0x4f: {  	_ =	shalt  }
0x50: {  	_ =	shalt  }
0x51: {  	_ =	shalt  }
0x52: {  	_ =	shalt  }
0x53: {  	_ =	shalt  }
0x54: {  	_ =	shalt  }
0x55: {  	_ =	shalt  }
0x56: {  	_ =	shalt  }
0x57: {  	_ =	shalt  }
0x58: {  	_ =	shalt  }
0x59: {  	_ =	shalt  }
0x5a: {  	_ =	shalt  }
0x5b: {  	_ =	shalt  }
0x5c: {  	_ =	shalt  }
0x5d: {  	_ =	shalt  }
0x5e: {  	_ =	shalt  }
0x5f: {  	_ =	shalt  }
0x60: {  	_ =	shalt  }
0x61: {  	_ =	shalt  }
0x62: {  	_ =	shalt  }
0x63: {  	_ =	shalt  }
0x64: {  	_ =	shalt  }
0x65: {  	_ =	shalt  }
0x66: {  	_ =	shalt  }
0x67: {  	_ =	shalt  }
0x68: {  	_ =	shalt  }
0x69: {  	_ =	shalt  }
0x6a: {  	_ =	shalt  }
0x6b: {  	_ =	shalt  }
0x6c: {  	_ =	shalt  }
0x6d: {  	_ =	shalt  }
0x6e: {  	_ =	shalt  }
0x6f: {  	_ =	shalt  }
0x70: {  	_ =	shalt  }
0x71: {  	_ =	shalt  }
0x72: {  	_ =	shalt  }
0x73: {  	_ =	shalt  }
0x74: {  	_ =	shalt  }
0x75: {  	_ =	shalt  }
0x76: {  	_ =	shalt  }
0x77: {  	_ =	shalt  }
0x78: {  	_ =	shalt  }
0x79: {  	_ =	shalt  }
0x7a: {  	_ =	shalt  }
0x7b: {  	_ =	shalt  }
0x7c: {  	_ =	shalt  }
0x7d: {  	_ =	shalt  }
0x7e: {  	_ =	shalt  }
0x7f: {  	_ =	shalt  }
0x80: {  	_ =	shalt  }
0x81: {  	_ =	shalt  }
0x82: {  	_ =	shalt  }
0x83: {  	_ =	shalt  }
0x84: {  	_ =	shalt  }
0x85: {  	_ =	shalt  }
0x86: {  	_ =	shalt  }
0x87: {  	_ =	shalt  }
.Lfunc_end0:
.L_simem_size_0:
called_computation_lowered:
.L_overlay_start_0:
0x88: {  	s2 =	sld [smem:$0x3FD9]  }
0x89: {  	s3 =	sld [smem:$0x3FFE];
	_ =	sdelay $0x1  }
0x8a: {  	s1 =	srdreg.scid  }
0x8b: {  	s0 =	sand.u32 $0x1, s1  }
0x8c: {  	s17 =	sshll.u32 s0, $0xA;
	s2 =	sadd.s32 s3, s2  }
0x8d: {  	s2 =	sadd.s32 s2, s17  }
0x8e: {  	[smem:$0x3FC6] =	sst s2  }
0x8f: {  	_ = 	snop  }
0x90: {  	s2 =	sld [smem:$0x3FC9]  }
0x91: {  	s18 =	sld [smem:$0x3FD0];
	(tm) =	ssettm $0x1  }
0x92: {  	s4 =	sld [smem:$0x3FFB];
	_ =	sdelay $0x3  }
0x93: {  	_ =	strace s4  }
0x94: {  	s4 =	sld [smem:$0x3FFC];
	_ =	sdelay $0x3  }
0x95: {  	_ =	strace s4  }
0x96: {  	s4 =	sld [smem:$0x3FFD];
	_ =	sdelay $0x3  }
0x97: {  	_ =	strace s4  }
0x98: {  	_ =	strace $0x8FFFFFFF  }
0x99: {  	s19 =	sld [smem:$0x3FDB];
	_ =	sdelay $0x1  }
0x9a: {  	s5 =	simm.s32 $_scs_section_size  }
0x9b: {  	s6 =	simm.s32 $_size__tile_overlayer_lowered;
	s7 =	simm.s32 $_tile_overlayer_lowered  }
0x9c: {  	s22 =	simm.s32 $0x1BFF;
	s21 =	sshll.u32 s7, $0x1;
	s4 =	sadd.s32 s5, s19  }
0x9d: {  	s8 =	simm.s32 $0x0;
	s20 =	sshll.u32 s6, $0x1;
	s6 =	sadd.s32 s21, s4  }
0x9e: {  	[timem:s8], [sflag:s22] =	dma.local [hbm:s6], s20  }
0x9f: {  	_ =	swait.ge [sflag:s22], s20  }
0xa0: {  	s5 =	ssub.s32 $0x0, s20;
	[sflag:s22] =	ssyncset.done $0x0  }
0xa1: {  	[sflag:s22] =	ssyncadd.s32 s5;
	_ =	sdelay $0x1  }
0xa2: {  	s23 =	simm.s32 $0x1B8B  }
0xa3: {  	_ =	swait.ge [sflag:s23], $0x1  }
0xa4: {  	[sflag:s23] =	ssyncset.done $0x0  }
0xa5: {  	s25 =	simm.s32 $0x1B8E;
	s24 =	sld [smem:$0x3FFE];
	[sflag:s23] =	ssyncadd.s32 $0xFFFFFFFF  }
0xa6: {  	s26 =	simm.s32 $execute0_lowered;
	[smem:$0x3FD2] =	sst s25  }
0xa7: {  	s6 =	sshll.u32 s26, $0x1;
	_ =	strace $0x80000046;
	[dreg:$0x1] =	wrdreg $0xFFFFFFFF  }
0xa8: {  	s28 =	simm.s32 $_size_execute0_lowered;
	s4 =	sadd.s32 s4, s6;
	[dreg:$0x0] =	wrdreg $0x0  }
0xa9: {  	s6 =	sshll.u32 s28, $0x1;
	[dreg:$0x2] =	wrdreg s4  }
0xaa: {  	[dreg:$0x3] =	wrdreg s6  }
0xab: {  	[dreg:$0x4] =	wrdreg $0xC0  }
0xac: {  	_ =	task [dreg:s8], $0x5FFFF  }
0xad: {  	[dreg:$0x1] =	wrdreg $0xFFFFFFFF  }
0xae: {  	[dreg:$0x0] =	wrdreg $0x60  }
0xaf: {  	[dreg:$0x2] =	wrdreg s2  }
0xb0: {  	[dreg:$0x3] =	wrdreg s18  }
0xb1: {  	[dreg:$0x4] =	wrdreg s24  }
0xb2: {  	[dreg:$0x5] =	wrdreg $0x0  }
0xb3: {  	[dreg:$0x6] =	wrdreg $0x9  }
0xb4: {  	_ =	task.clear_ibuf [dreg:s8], $0x7FFFF;
	_ =	strace $0x90000046  }
0xb5: {  	s29 =	simm.s32 $0x9;
	_ =	strace $0x80000048  }
0xb6: {  	_ =	swait.ge [sflag:s29], $0x1  }
0xb7: {  	[sflag:s29] =	ssyncadd.s32 $0xFFFFFFFF  }
0xb8: {  	_ =	strace $0x90000048  }
0xb9: {  	_ =	sfence  }
0xba: {  	s30 =	sld [smem:$0x0];
	_ =	sdelay $0x2  }
0xbb: {  	s31 =	sshll.u32 s1, $0xD;
	s1 =	sshrl.u32 s1, $0x2  }
0xbc: {  	s3 =	sand.u32 $0x4000, s31;
	s1 =	sadd.s32 s1, s30  }
0xbd: {  	s0 =	sor.u32 s3, s0;
	s1 =	sshll.u32 s1, $0x11  }
0xbe: {  	s0 =	sor.u32 s1, s0  }
0xbf: {  	s0 =	sadd.s32 $0x8F2B, s0  }
0xc0: {  	[sflag:s0] =	ssyncadd.remote.s32 $0x1  }
0xc1: {  	_ =	sfence.sel $0xFFFF  }
0xc2: {  	[dreg:$0x0] =	wrdreg $0xFFFFFFFF;
	(pc) =	sbr.abs _section_cstart, $3  }
0xc3: {  	[dreg:$0x1] =	wrdreg $0xFFFFFFFF  }
0xc4: {  	_ =	task.clear_ibuf [dreg:s8], $0x2FFFF;
	_ =	strace $0x9FFFFFFF  }
0xc5: {  	(tm) =	ssettm $0x7FFFFFFF  }
tec
execute0_lowered:
.L_overlay_start_1:
0x0: {  	(tag) =	ssettag $0x1  }
0x1: {  	s0 =	rddreg [dreg:$0x0]  }
0x2: {  	s3 =	rddreg [dreg:$0x1]  }
0x3: {  	s4 =	rddreg [dreg:$0x2]  }
0x4: {  	s1 =	rddreg [dreg:$0x3];
	s2 =	simm.s32 $0x0  }
0x5: {  	s5 =	srdreg.scid;
	s8 =	stileid.u32;
	s31 =	simm.s32 $0x13880  }
0x6: {  	s28 =	simm.s32 $0x17880;
	[smem:$0x7FF] =	sst s2;
	s5 =	sand.u32 $0x1, s5  }
0x7: {  	s24 =	sadd.s32 $0xE00, s4;
	s7 =	sadd.s32 $0x600, s4;
	s12 =	sshll.u32 s8, $0xE  }
0x8: {  	s4 =	sadd.s32 $0x1600, s4;
	s14 =	sor.u32 $0x10, s8;
	p0 =	slt.u32 s8, $0x4  }
0x9: {  	s11 =	sshll.u32 s8, $0x4;
	s20 =	sshll.u32 s8, $0xB;
	p1 =	sgt.u32 s8, $0xD  }
0xa: {  	_ =	strace $0x80000047;
	s6 =	ssub.s32 $0x2, s5;
	[dreg:$0x6] =	wrdreg s7  }
0xb: {  	s10 =	sadd.s32 s12, s1;
	s7 =	simm.s32 $0x9D;
	s17 =	sshll.u32 s14, $0xE  }
0xc: {  	s18 =	sor.u32 $0x80000, s12;
	s19 =	sor.u32 $0xC0000, s12;
	p3 =	seq.s32 s5, $0x1  }
0xd: {  	s11 =	sadd.s32 s3, s11;
	s21 =	sshll.u32 s14, $0x4;
	s14 =	sshll.u32 s14, $0xB  }
0xe: {  	s5 =	smul.u32 $0x138800, s5;
	p2 =	sne.s32 @p1 s8, $0xE;
	s22 =	sshrl.u32 s6, $0x1  }
0xf: {  	s7 =	simm.s32 @!p0 $0x9C;
	s25 =	sadd.s32 s17, s1;
	[dreg:$0xb] =	wrdreg s10  }
0x10: {  	s29 =	sadd.s32 s18, s1;
	s30 =	sadd.s32 s19, s1;
	[dreg:$0x7] =	wrdreg s25  }
0x11: {  	s21 =	sadd.s32 s3, s21;
	s13 =	ssub.s32 s6, s22;
	[dreg:$0x8] =	wrdreg s29  }
0x12: {  	s6 =	sadd.s32 s0, s20;
	s0 =	sadd.s32 s0, s14;
	[dreg:$0x9] =	wrdreg s30  }
0x13: {  	s16 =	sadd.s32 $0xFFFFFFFF, s7;
	s26 =	sadd.s32 $0xFFFFFFFC, s7;
	[dreg:$0xc] =	wrdreg s0  }
0x14: {  	s9 =	sadd.s32 s5, s17;
	s17 =	sadd.s32 s5, s18;
	[dreg:$0x5] =	wrdreg s26  }
0x15: {  	s0 =	sor.u32 $0x100000, s12;
	s14 =	sshrl.u32 s9, $0x3;
	s22 =	sshrl.u32 s17, $0x3  }
0x16: {  	[dreg:$0xa] =	wrdreg s6;
	s17 =	sadd.s32 $0x10000, s6;
	s6 =	simm.s32 @!p3 $0x0  }
0x17: {  	s18 =	sadd.s32 s4, s14;
	s14 =	sadd.s32 $0x9D00, s11;
	[dreg:$0x17] =	wrdreg s17  }
0x18: {  	s12 =	sadd.s32 s12, s5;
	s6 =	simm.s32 @p3 $0x1;
	[dreg:$0x16] =	wrdreg s14  }
0x19: {  	s15 =	smul.u32 $0xAB, s16;
	s12 =	sshrl.u32 s12, $0x3;
	[smem:$0x7FB] =	sst s6  }
0x1a: {  	s20 =	sadd.s32 s4, s12;
	s12 =	smax.u32 s13, $0x1;
	[dreg:$0xf] =	wrdreg s18  }
0x1b: {  	p5 =	por p2, !p1;
	s13 =	sadd.s32 $0x9C00, s11;
	[dreg:$0x14] =	wrdreg s12  }
0x1c: {  	s15 =	sshrl.u32 s15, $0x9;
	s6 =	simm.s32 @!p5 $0x0;
	[dreg:$0x15] =	wrdreg s13  }
0x1d: {  	s23 =	smul.u32 $0x3, s15;
	s15 =	sadd.s32 $0x138000, s1;
	[dreg:$0xe] =	wrdreg s20  }
0x1e: {  	p6 =	por !p2, !p1;
	s6 =	simm.s32 @p5 $0x1;
	[dreg:$0xd] =	wrdreg s15  }
0x1f: {  	s14 =	simm.s32 $0x1;
	s12 =	simm.s32 $0x80;
	[smem:$0x7FC] =	sst s6  }
0x20: {  	s6 =	simm.s32 @!p6 $0x0;
	s3 =	ssub.s32 s16, s23;
	s16 =	sadd.s32 s0, s1  }
0x21: {  	s23 =	sadd.s32 s5, s19;
	s19 =	sadd.s32 s4, s22;
	s0 =	sadd.s32 s5, s0  }
0x22: {  	s5 =	sshrl.u32 s5, $0x3;
	s22 =	sadd.s32 $0xFFFFFFFE, s7;
	s26 =	sshrl.u32 s23, $0x3  }
0x23: {  	s6 =	simm.s32 @p6 $0x1;
	s0 =	sshrl.u32 s0, $0x3;
	s9 =	sadd.s32 s4, s26  }
0x24: {  	s0 =	sadd.s32 s4, s0;
	[dreg:$0x11] =	wrdreg s9;
	s9 =	sadd.s32 s4, s5  }
0x25: {  	p2 =	seq.s32 s22, $0x9A;
	[dreg:$0x12] =	wrdreg s0;
	s0 =	sadd.s32 $0x27000, s9  }
0x26: {  	s3 =	sand.u32 $0xFF, s3;
	[dreg:$0x13] =	wrdreg s0;
	s0 =	simm.s32 @!p2 $0x0  }
0x27: {  	[dreg:$0x10] =	wrdreg s19;
	p4 =	seq.s32 s3, $0x0;
	s0 =	simm.s32 @p2 $0x1  }
0x28: {  	p0 =	seq.s32 @!p4 s3, $0x2;
	[smem:$0x7F6] =	sst s0;
	s0 =	simm.s32 @!p4 $0x0  }
0x29: {  	[smem:$0x7FD] =	sst s6;
	p0 =	por !p0, p4;
	s0 =	simm.s32 @p4 $0x1  }
0x2a: {  	s23 =	sadd.s32 $0xFFFFFFFD, s7;
	[smem:$0x7F7] =	sst s0;
	s0 =	simm.s32 @!p0 $0x0  }
0x2b: {  	s26 =	sadd.s32 $0x200, s11;
	s0 =	simm.s32 @p0 $0x1;
	p0 =	sne.s32 s23, $0x9B  }
.Ltmp0:
0x2c: {  	[smem:$0x7F8] =	sst s0;
	s0 =	simm.s32 @!p0 $0x0;
	(pc) =	sbr.rel .LBB2_1-.Ltmp0, $4  }
0x2d: {  	[dreg:$0x18] =	wrdreg s26;
	s0 =	simm.s32 @p0 $0x1;
	p0 =	sgt.u32 s8, $0x3  }
0x2e: {  	s3 =	simm.s32 $0x1F880;
	[smem:$0x7F9] =	sst s0;
	s0 =	simm.s32 @!p0 $0x0  }
0x2f: {  	s5 =	simm.s32 $0x1F900;
	s26 =	simm.s32 $0x2;
	s0 =	simm.s32 @p0 $0x1  }
0x30: {  	s4 =	simm.s32 $0x0;
	[smem:$0x7FA] =	sst s0;
	s0 =	simm.s32 $0x7  }
.LBB2_4:
0x31: {  	[tilespmem:s17], [sflag:$0x3] =	stream.linear.gather @!p5 [hbm4b:s29+s24], $0x4000, $0x38;
	[tilespmem:$0x1FA00] =	vst v63  }
0x32: {  	_ =	swait.ge @!p4 [sflag:s25], $0x80  }
0x33: {  	[sflag:s25] =	ssyncset.done @!p4 $0x0  }
0x34: {  	[sflag:s25] =	ssyncadd.s32 @!p4 $0xFFFFFF80  }
0x35: {  	_ =	swait.ge @!p4 [sflag:s25], $0x4000  }
0x36: {  	[sflag:s25] =	ssyncset.done @!p4 $0x0  }
0x37: {  	s6 =	simm.s32 @!p4 $0x4;
	[sflag:s25] =	ssyncadd.s32 @!p4 $0xFFFFC000  }
0x38: {  	s8 =	sadd.s32 $0x2, s13;
	_ =	swait.ge @!p4 [sflag:s6], $0x4000  }
0x39: {  	s9 =	simm.s32 @!p4 $0x17880;
	p2 =	por p6, p4;
	[sflag:s6] =	ssyncset.done @!p4 $0x0  }
0x3a: {  	s17 =	simm.s32 @!p4 $0x1F900;
	[sflag:s6] =	ssyncadd.s32 @!p4 $0xFFFFC000;
	s6 =	simm.s32 @!p4 $0x80  }
0x3b: {  	[spmem:s1] =	stream.indirect.scatter.add.f32 @!p4 [tilespmem:s9], [sflag:$0x5], $0x80, s17, s6, $0xb8;
	[tilespmem:$0x1FA00] =	vst v63  }
0x3c: {  	s6 =	sadd.s32 @!p2 $0x100, s30;
	s9 =	simm.s32 @!p2 $0x0;
	s17 =	simm.s32 @!p2 $0x1F880  }
0x3d: {  	[tilespmem:s17], [sflag:$0x1] =	stream.linear.gather @!p2 [hbm4b:s6+s9], $0x80, $0x38;
	[tilespmem:$0x1FA00] =	vst v63  }
0x3e: {  	p0 =	sge.u32 s8, s7;
	s6 =	sadd.s32 @!p2 $0x8000, s29;
	s17 =	simm.s32 @!p2 $0x13880  }
0x3f: {  	[tilespmem:s17], [sflag:$0x1] =	stream.linear.gather @!p2 [hbm4b:s6+s9], $0x4000, $0x38;
	[tilespmem:$0x1FA00] =	vst v63  }
0x40: {  	s6 =	simm.s32 @!p0 $0x3  }
0x41: {  	_ =	swait.ge @!p0 [sflag:s6], $0x80  }
0x42: {  	[sflag:s6] =	ssyncset.done @!p0 $0x0  }
0x43: {  	[sflag:s6] =	ssyncadd.s32 @!p0 $0xFFFFFF80  }
0x44: {  	_ =	swait.ge @!p0 [sflag:s6], $0x4000  }
0x45: {  	[sflag:s6] =	ssyncset.done @!p0 $0x0  }
0x46: {  	[sflag:s6] =	ssyncadd.s32 @!p0 $0xFFFFC000;
	s6 =	simm.s32 @!p0 $0x5  }
0x47: {  	_ =	swait.ge @!p0 [sflag:s6], $0x4000  }
0x48: {  	s9 =	rddreg [dreg:$0x5]  }
0x49: {  	s24 =	sld [smem:$0x7F8]  }
0x4a: {  	s25 =	sld [smem:$0x7F7]  }
0x4b: {  	s21 =	smov.u32 s15;
	s15 =	rddreg [dreg:$0xd]  }
0x4c: {  	s8 =	simm.s32 @!p0 $0x1B880;
	s20 =	rddreg [dreg:$0xe]  }
0x4d: {  	s17 =	simm.s32 @!p0 $0x1F980;
	[sflag:s6] =	ssyncset.done @!p0 $0x0;
	s18 =	rddreg [dreg:$0xf]  }
0x4e: {  	[sflag:s6] =	ssyncadd.s32 @!p0 $0xFFFFC000;
	s6 =	simm.s32 @!p0 $0x80;
	p2 =	sge.u32 @!p0 s13, s9  }
0x4f: {  	[spmem:s1] =	stream.indirect.scatter.add.f32 @!p0 [tilespmem:s8], [sflag:$0x6], $0x80, s17, s6, $0xb8;
	[tilespmem:$0x1FA00] =	vst v63  }
0x50: {  	s19 =	rddreg [dreg:$0x10];
	p0 =	por p2, p0  }
0x51: {  	s17 =	sld [smem:$0x7FD];
	s6 =	sadd.s32 @!p0 $0x200, s30  }
0x52: {  	s8 =	simm.s32 @!p0 $0x0;
	s9 =	simm.s32 @!p0 $0x1F900;
	s30 =	rddreg [dreg:$0x9]  }
0x53: {  	[tilespmem:s9], [sflag:$0x2] =	stream.linear.gather @!p0 [hbm4b:s6+s8], $0x80, $0x38;
	[tilespmem:$0x1FA00] =	vst v63  }
0x54: {  	s6 =	simm.s32 @!p0 $0x17880;
	s9 =	sadd.s32 @!p0 $0x10000, s29;
	s29 =	rddreg [dreg:$0x8]  }
0x55: {  	[tilespmem:s6], [sflag:$0x2] =	stream.linear.gather @!p0 [hbm4b:s9+s8], $0x4000, $0x38;
	[tilespmem:$0x1FA00] =	vst v63  }
0x56: {  	s8 =	sld [smem:$0x7FB]  }
0x57: {  	p6 =	seq.s32 s17, $0x1;
	p0 =	seq.s32 s24, $0x1;
	s9 =	sld [smem:$0x7FC]  }
0x58: {  	s24 =	smov.u32 s10;
	s10 =	rddreg [dreg:$0xb];
	s13 =	simm.s32 @!p0 $0x6  }
0x59: {  	s13 =	simm.s32 @p0 $0x5;
	p0 =	seq.s32 s25, $0x1;
	s25 =	rddreg [dreg:$0x7]  }
0x5a: {  	s13 =	simm.s32 @p0 $0x4;
	p3 =	seq.s32 s8, $0x1;
	p5 =	seq.s32 s9, $0x1  }
.LBB2_9:
0x5b: {  	_ =	swait.ge [sflag:s13], $0x4000  }
0x5c: {  	[sflag:s13] =	ssyncset.done $0x0  }
0x5d: {  	[sflag:s13] =	ssyncadd.s32 $0xFFFFC000  }
.LBB2_10:
0x5e: {  	[bflag:$0x0] =	sbarrier.arrive $0xFFFF  }
0x5f: {  	[tilespmem:s28], [sflag:$0x7] =	stream.linear.gather [spmem:s10], $0x4000, $0x38;
	[tilespmem:$0x1FA00] =	vst v63  }
0x60: {  	_ =	swait.ge [sflag:s0], $0x4000  }
0x61: {  	[sflag:s0] =	ssyncset.done $0x0  }
0x62: {  	[sflag:s0] =	ssyncadd.s32 $0xFFFFC000  }
0x63: {  	[hbm4b:s20+s2] =	stream.linear.scatter [tilespmem:s28], [sflag:$0x7], $0x4000, $0x38;
	[tilespmem:$0x1FA00] =	vst v63  }
0x64: {  	_ =	swait.ge [sflag:s0], $0x4000  }
0x65: {  	[sflag:s0] =	ssyncset.done $0x0  }
0x66: {  	[sflag:s0] =	ssyncadd.s32 $0xFFFFC000  }
0x67: {  	[tilespmem:s28], [sflag:$0x7] =	stream.linear.gather [spmem:s25], $0x4000, $0x38;
	[tilespmem:$0x1FA00] =	vst v63  }
0x68: {  	_ =	swait.ge [sflag:s0], $0x4000  }
0x69: {  	[sflag:s0] =	ssyncset.done $0x0  }
0x6a: {  	[sflag:s0] =	ssyncadd.s32 $0xFFFFC000  }
0x6b: {  	[hbm4b:s18+s2] =	stream.linear.scatter [tilespmem:s28], [sflag:$0x7], $0x4000, $0x38;
	[tilespmem:$0x1FA00] =	vst v63  }
0x6c: {  	_ =	swait.ge [sflag:s0], $0x4000  }
0x6d: {  	[sflag:s0] =	ssyncset.done $0x0  }
0x6e: {  	[sflag:s0] =	ssyncadd.s32 $0xFFFFC000  }
0x6f: {  	[tilespmem:s28], [sflag:$0x7] =	stream.linear.gather [spmem:s29], $0x4000, $0x38;
	[tilespmem:$0x1FA00] =	vst v63  }
0x70: {  	_ =	swait.ge [sflag:s0], $0x4000  }
0x71: {  	[sflag:s0] =	ssyncset.done $0x0  }
0x72: {  	[sflag:s0] =	ssyncadd.s32 $0xFFFFC000  }
0x73: {  	[hbm4b:s19+s2] =	stream.linear.scatter [tilespmem:s28], [sflag:$0x7], $0x4000, $0x38;
	[tilespmem:$0x1FA00] =	vst v63  }
0x74: {  	_ =	swait.ge [sflag:s0], $0x4000  }
0x75: {  	[sflag:s0] =	ssyncset.done $0x0  }
0x76: {  	[sflag:s0] =	ssyncadd.s32 $0xFFFFC000  }
0x77: {  	[tilespmem:s28], [sflag:$0x7] =	stream.linear.gather [spmem:s30], $0x4000, $0x38;
	[tilespmem:$0x1FA00] =	vst v63  }
0x78: {  	_ =	swait.ge [sflag:s0], $0x4000  }
0x79: {  	[sflag:s0] =	ssyncset.done $0x0  }
0x7a: {  	s6 =	rddreg [dreg:$0x11];
	[sflag:s0] =	ssyncadd.s32 $0xFFFFC000  }
0x7b: {  	[hbm4b:s6+s2] =	stream.linear.scatter [tilespmem:s28], [sflag:$0x7], $0x4000, $0x38;
	[tilespmem:$0x1FA00] =	vst v63  }
0x7c: {  	_ =	swait.ge [sflag:s0], $0x4000  }
0x7d: {  	[sflag:s0] =	ssyncset.done $0x0  }
0x7e: {  	s8 =	simm.s32 @!p1 $0x7;
	s6 =	simm.s32 @!p1 $0x17880;
	[sflag:s0] =	ssyncadd.s32 $0xFFFFC000  }
0x7f: {  	[tilespmem:s6], [sflag:$0x7] =	stream.linear.gather @!p1 [spmem:s16], $0x4000, $0x38;
	[tilespmem:$0x1FA00] =	vst v63  }
0x80: {  	_ =	swait.ge @!p1 [sflag:s8], $0x4000  }
0x81: {  	p2 =	por @p1 $0x0, $0x0;
	p0 =	por @!p5 $0x1, $0x1;
	[sflag:s8] =	ssyncset.done @!p1 $0x0  }
0x82: {  	s9 =	simm.s32 @!p1 $0x0;
	s13 =	rddreg [dreg:$0x12];
	[sflag:s8] =	ssyncadd.s32 @!p1 $0xFFFFC000  }
0x83: {  	[hbm4b:s13+s9] =	stream.linear.scatter @!p1 [tilespmem:s6], [sflag:$0x7], $0x4000, $0x38;
	[tilespmem:$0x1FA00] =	vst v63  }
0x84: {  	p0 =	por @!p6 p2, p2;
	p2 =	por @!p1 $0x0, $0x0;
	_ =	swait.ge @!p1 [sflag:s8], $0x4000  }
0x85: {  	p0 =	por @!p1 p2, p2;
	[sflag:s8] =	ssyncset.done @!p1 $0x0  }
0x86: {  	s6 =	simm.s32 @p0 $0x17880;
	[sflag:s8] =	ssyncadd.s32 @!p1 $0xFFFFC000;
	s8 =	simm.s32 @p0 $0x7  }
0x87: {  	[tilespmem:s6], [sflag:$0x7] =	stream.linear.gather @p0 [spmem:s15], $0x800, $0x38;
	[tilespmem:$0x1FA00] =	vst v63  }
0x88: {  	_ =	swait.ge @p0 [sflag:s8], $0x800  }
0x89: {  	[sflag:s8] =	ssyncset.done @p0 $0x0  }
0x8a: {  	s9 =	simm.s32 @p0 $0x0;
	s13 =	rddreg [dreg:$0x13];
	[sflag:s8] =	ssyncadd.s32 @p0 $0xFFFFF800  }
0x8b: {  	[hbm4b:s13+s9] =	stream.linear.scatter @p0 [tilespmem:s6], [sflag:$0x7], $0x800, $0x38;
	[tilespmem:$0x1FA00] =	vst v63  }
0x8c: {  	_ =	swait.ge @p0 [sflag:s8], $0x800  }
0x8d: {  	s4 =	sadd.s32 $0x1, s4;
	s17 =	rddreg [dreg:$0x14]  }
0x8e: {  	p2 =	sne.s32 s4, s17  }
.Ltmp1:
0x8f: {  	_ = 	snop;
	(pc) =	sbr.rel @!p2 .LBB2_11-.Ltmp1, $3  }
0x90: {  	_ =	sdelay $0x1  }
0x91: {  	[sflag:s8] =	ssyncset.done @p0 $0x0  }
0x92: {  	[sflag:s8] =	ssyncadd.s32 @p0 $0xFFFFF800  }
.LBB2_1:
0x93: {  	[tilespmem:s31], [sflag:$0x7] =	stream.linear.gather [hbm4b:s24+s2], $0x4000, $0x38;
	[tilespmem:$0x1FA00] =	vst v63  }
0x94: {  	_ =	swait.ge [sflag:s0], $0x4000  }
0x95: {  	[sflag:s0] =	ssyncset.done $0x0  }
0x96: {  	[sflag:s0] =	ssyncadd.s32 $0xFFFFC000  }
0x97: {  	[spmem:s10] =	stream.linear.scatter [tilespmem:s31], [sflag:$0x7], $0x4000, $0x38;
	[tilespmem:$0x1FA00] =	vst v63  }
0x98: {  	_ =	swait.ge [sflag:s0], $0x4000  }
0x99: {  	[sflag:s0] =	ssyncset.done $0x0  }
0x9a: {  	[sflag:s0] =	ssyncadd.s32 $0xFFFFC000  }
0x9b: {  	[spmem:s25] =	stream.linear.scatter [tilespmem:s31], [sflag:$0x7], $0x4000, $0x38;
	[tilespmem:$0x1FA00] =	vst v63  }
0x9c: {  	_ =	swait.ge [sflag:s0], $0x4000  }
0x9d: {  	[sflag:s0] =	ssyncset.done $0x0  }
0x9e: {  	[sflag:s0] =	ssyncadd.s32 $0xFFFFC000  }
0x9f: {  	[spmem:s29] =	stream.linear.scatter [tilespmem:s31], [sflag:$0x7], $0x4000, $0x38;
	[tilespmem:$0x1FA00] =	vst v63  }
0xa0: {  	_ =	swait.ge [sflag:s0], $0x4000  }
0xa1: {  	[sflag:s0] =	ssyncset.done $0x0  }
0xa2: {  	[sflag:s0] =	ssyncadd.s32 $0xFFFFC000  }
0xa3: {  	[spmem:s30] =	stream.linear.scatter [tilespmem:s31], [sflag:$0x7], $0x4000, $0x38;
	[tilespmem:$0x1FA00] =	vst v63  }
0xa4: {  	_ =	swait.ge [sflag:s0], $0x4000  }
0xa5: {  	[sflag:s0] =	ssyncset.done $0x0  }
0xa6: {  	s13 =	simm.s32 @!p5 $0x13880;
	[sflag:s0] =	ssyncadd.s32 $0xFFFFC000  }
0xa7: {  	[spmem:s15] =	stream.linear.scatter @!p5 [tilespmem:s13], [sflag:$0x7], $0x800, $0x38;
	[tilespmem:$0x1FA00] =	vst v63  }
0xa8: {  	s13 =	simm.s32 @!p5 $0x7  }
0xa9: {  	_ =	swait.ge @!p5 [sflag:s13], $0x800  }
0xaa: {  	[sflag:s13] =	ssyncset.done @!p5 $0x0  }
0xab: {  	[sflag:s13] =	ssyncadd.s32 @!p5 $0xFFFFF800;
	s13 =	simm.s32 @!p1 $0x13880  }
0xac: {  	[spmem:s16] =	stream.linear.scatter @!p1 [tilespmem:s13], [sflag:$0x7], $0x4000, $0x38;
	[tilespmem:$0x1FA00] =	vst v63  }
0xad: {  	s13 =	simm.s32 @!p1 $0x7  }
.Ltmp2:
0xae: {  	_ =	swait.ge @!p1 [sflag:s13], $0x4000;
	(pc) =	sbr.rel @!p3 .LBB2_2-.Ltmp2, $3  }
0xaf: {  	[sflag:s13] =	ssyncset.done @!p1 $0x0  }
0xb0: {  	[sflag:s13] =	ssyncadd.s32 @!p1 $0xFFFFC000  }
0xb1: {  	[bflag:$0x0] =	sbarrier.arrive $0xFFFF;
	_ =	sdelay $0x1  }
0xb2: {  	s6 =	rddreg [dreg:$0x6]  }
0xb3: {  	[tilespmem:s31], [sflag:$0x7] =	stream.linear.gather [hbm4b:s6+s2], $0x4000, $0x38;
	[tilespmem:$0x1FA00] =	vst v63  }
0xb4: {  	_ =	swait.ge [sflag:s0], $0x4000  }
0xb5: {  	[sflag:s0] =	ssyncset.done $0x0  }
0xb6: {  	[sflag:s0] =	ssyncadd.s32 $0xFFFFC000  }
0xb7: {  	[tilespmem:s3], [sflag:$0x1] =	stream.linear.gather [hbm4b:s11+s2], $0x80, $0x38;
	[tilespmem:$0x1FA00] =	vst v63  }
0xb8: {  	_ = 	snop  }
0xb9: {  	[tilespmem:s5], [sflag:$0x2] =	stream.linear.gather [hbm4b:s21+s2], $0x80, $0x38;
	[tilespmem:$0x1FA00] =	vst v63  }
0xba: {  	_ =	swait.ge [sflag:s14], $0x80  }
0xbb: {  	[sflag:s14] =	ssyncset.done $0x0  }
0xbc: {  	[sflag:s14] =	ssyncadd.s32 $0xFFFFFF80  }
0xbd: {  	[spmem:s1] =	stream.indirect.scatter.add.f32 [tilespmem:s31], [sflag:$0x7], $0x80, s3, s12, $0xb8;
	[tilespmem:$0x1FA00] =	vst v63  }
0xbe: {  	_ =	swait.ge [sflag:s0], $0x4000  }
0xbf: {  	s17 =	sadd.s32 $0xFFFF6600, s11;
	[sflag:s0] =	ssyncset.done $0x0  }
0xc0: {  	s8 =	sadd.s32 $0x9C00, s17;
	[sflag:s0] =	ssyncadd.s32 $0xFFFFC000  }
0xc1: {  	[tilespmem:s3], [sflag:$0x1] =	stream.linear.gather [hbm4b:s8+s2], $0x80, $0x38;
	[tilespmem:$0x1FA00] =	vst v63  }
0xc2: {  	_ =	swait.ge [sflag:s26], $0x80  }
0xc3: {  	[sflag:s26] =	ssyncset.done $0x0  }
0xc4: {  	[sflag:s26] =	ssyncadd.s32 $0xFFFFFF80  }
0xc5: {  	[spmem:s1] =	stream.indirect.scatter.add.f32 [tilespmem:s31], [sflag:$0x7], $0x80, s5, s12, $0xb8;
	[tilespmem:$0x1FA00] =	vst v63  }
0xc6: {  	_ =	swait.ge [sflag:s0], $0x4000  }
0xc7: {  	[sflag:s0] =	ssyncset.done $0x0  }
0xc8: {  	s13 =	simm.s32 $0xFFFF6800;
	s17 =	sadd.s32 $0x9D00, s17;
	[sflag:s0] =	ssyncadd.s32 $0xFFFFC000  }
.LBB2_6:
0xc9: {  	[tilespmem:s5], [sflag:$0x2] =	stream.linear.gather [hbm4b:s17+s2], $0x80, $0x38;
	[tilespmem:$0x1FA00] =	vst v63  }
0xca: {  	s6 =	smov.u32 s13  }
0xcb: {  	p0 =	seq.s32 s13, $0xFFFFFE00;
	s13 =	sadd.s32 $0x200, s13;
	_ =	swait.ge [sflag:s14], $0x80  }
0xcc: {  	[sflag:s14] =	ssyncset.done $0x0  }
0xcd: {  	[sflag:s14] =	ssyncadd.s32 $0xFFFFFF80  }
0xce: {  	[spmem:s1] =	stream.indirect.scatter.add.f32 [tilespmem:s31], [sflag:$0x7], $0x80, s3, s12, $0xb8;
	[tilespmem:$0x1FA00] =	vst v63  }
0xcf: {  	_ =	swait.ge [sflag:s0], $0x4000  }
0xd0: {  	s6 =	sadd.s32 s6, s11;
	[sflag:s0] =	ssyncset.done $0x0  }
0xd1: {  	s8 =	sadd.s32 $0x9C00, s6;
	[sflag:s0] =	ssyncadd.s32 $0xFFFFC000  }
0xd2: {  	[tilespmem:s3], [sflag:$0x1] =	stream.linear.gather [hbm4b:s8+s2], $0x80, $0x38;
	[tilespmem:$0x1FA00] =	vst v63  }
0xd3: {  	_ =	swait.ge [sflag:s26], $0x80  }
0xd4: {  	[sflag:s26] =	ssyncset.done $0x0  }
.Ltmp3:
0xd5: {  	[sflag:s26] =	ssyncadd.s32 $0xFFFFFF80;
	(pc) =	sbr.rel @!p0 .LBB2_6-.Ltmp3, $4  }
0xd6: {  	[spmem:s1] =	stream.indirect.scatter.add.f32 [tilespmem:s31], [sflag:$0x7], $0x80, s5, s12, $0xb8;
	[tilespmem:$0x1FA00] =	vst v63  }
0xd7: {  	_ =	swait.ge [sflag:s0], $0x4000  }
0xd8: {  	[sflag:s0] =	ssyncset.done $0x0  }
0xd9: {  	s17 =	sadd.s32 $0x9D00, s6;
	[sflag:s0] =	ssyncadd.s32 $0xFFFFC000  }
0xda: {  	[tilespmem:s5], [sflag:$0x2] =	stream.linear.gather [hbm4b:s17+s2], $0x80, $0x38;
	[tilespmem:$0x1FA00] =	vst v63  }
0xdb: {  	_ =	swait.ge [sflag:s14], $0x80  }
0xdc: {  	[sflag:s14] =	ssyncset.done $0x0  }
0xdd: {  	[sflag:s14] =	ssyncadd.s32 $0xFFFFFF80  }
0xde: {  	[spmem:s1] =	stream.indirect.scatter.add.f32 [tilespmem:s31], [sflag:$0x7], $0x80, s3, s12, $0xb8;
	[tilespmem:$0x1FA00] =	vst v63  }
0xdf: {  	_ =	swait.ge [sflag:s0], $0x4000  }
0xe0: {  	s6 =	sld [smem:$0x7F6];
	_ =	sdelay $0x2  }
0xe1: {  	[sflag:s0] =	ssyncset.done $0x0;
	s9 =	rddreg [dreg:$0x15];
	p0 =	seq.s32 s6, $0x1  }
0xe2: {  	[sflag:s0] =	ssyncadd.s32 $0xFFFFC000;
	s6 =	simm.s32 @!p0 $0x0;
	s8 =	simm.s32 @!p0 $0x1F880  }
0xe3: {  	[tilespmem:s8], [sflag:$0x1] =	stream.linear.gather @!p0 [hbm4b:s9+s6], $0x80, $0x38;
	[tilespmem:$0x1FA00] =	vst v63  }
0xe4: {  	_ =	swait.ge [sflag:s26], $0x80  }
0xe5: {  	[sflag:s26] =	ssyncset.done $0x0  }
0xe6: {  	[sflag:s26] =	ssyncadd.s32 $0xFFFFFF80  }
0xe7: {  	[spmem:s1] =	stream.indirect.scatter.add.f32 [tilespmem:s31], [sflag:$0x7], $0x80, s5, s12, $0xb8;
	[tilespmem:$0x1FA00] =	vst v63  }
0xe8: {  	_ =	swait.ge [sflag:s0], $0x4000  }
0xe9: {  	s13 =	sld [smem:$0x7F9];
	_ =	sdelay $0x1  }
0xea: {  	s9 =	rddreg [dreg:$0x16]  }
0xeb: {  	[sflag:s0] =	ssyncset.done $0x0;
	s17 =	sld [smem:$0x7FA];
	p0 =	seq.s32 s13, $0x1  }
0xec: {  	[sflag:s0] =	ssyncadd.s32 $0xFFFFC000;
	s6 =	simm.s32 @!p0 $0x0;
	s8 =	simm.s32 @!p0 $0x1F900  }
0xed: {  	[tilespmem:s8], [sflag:$0x2] =	stream.linear.gather @!p0 [hbm4b:s9+s6], $0x80, $0x38;
	[tilespmem:$0x1FA00] =	vst v63  }
0xee: {  	p0 =	seq.s32 s17, $0x1  }
.Ltmp4:
0xef: {  	_ = 	snop;
	(pc) =	sbr.rel @p0 .LBB2_10-.Ltmp4, $1  }
0xf0: {  	_ =	sdelay $0x3  }
.Ltmp5:
0xf1: {  	(pc) =	sbr.rel .LBB2_9-.Ltmp5, $4  }
0xf2: {  	_ =	swait.ge [sflag:s14], $0x80  }
0xf3: {  	[sflag:s14] =	ssyncset.done $0x0  }
0xf4: {  	s13 =	simm.s32 $0x7;
	[sflag:s14] =	ssyncadd.s32 $0xFFFFFF80  }
0xf5: {  	[spmem:s1] =	stream.indirect.scatter.add.f32 [tilespmem:s31], [sflag:$0x7], $0x80, s3, s12, $0xb8;
	[tilespmem:$0x1FA00] =	vst v63  }
.LBB2_2:
0xf6: {  	s13 =	simm.s32 $0x0  }
0xf7: {  	[tilespmem:s3], [sflag:$0x1] =	stream.linear.gather [hbm4b:s11+s13], $0x80, $0x38;
	[tilespmem:$0x1FA00] =	vst v63  }
0xf8: {  	s6 =	rddreg [dreg:$0xa]  }
0xf9: {  	[tilespmem:s31], [sflag:$0x1] =	stream.linear.gather [hbm4b:s6+s13], $0x4000, $0x38;
	[tilespmem:$0x1FA00] =	vst v63  }
0xfa: {  	p0 =	sle.u32 s7, $0x0  }
0xfb: {  	[tilespmem:s5], [sflag:$0x2] =	stream.linear.gather [hbm4b:s21+s13], $0x80, $0x38;
	[tilespmem:$0x1FA00] =	vst v63  }
0xfc: {  	s25 =	rddreg [dreg:$0xc];
	s17 =	simm.s32 @!p0 $0x1  }
0xfd: {  	[tilespmem:s28], [sflag:$0x2] =	stream.linear.gather [hbm4b:s25+s13], $0x4000, $0x38;
	[tilespmem:$0x1FA00] =	vst v63  }
0xfe: {  	_ =	swait.ge @!p0 [sflag:s17], $0x80  }
0xff: {  	s10 =	smov.u32 s24;
	[sflag:s17] =	ssyncset.done @!p0 $0x0  }
0x100: {  	s15 =	smov.u32 s21;
	p2 =	por @!p0 $0x1, $0x1;
	[sflag:s17] =	ssyncadd.s32 @!p0 $0xFFFFFF80  }
0x101: {  	p4 =	sle.u32 @!p0 s22, $0x0;
	s20 =	simm.s32 @!p0 $0x1F880;
	_ =	swait.ge @!p0 [sflag:s17], $0x4000  }
0x102: {  	p2 =	por p2, p0;
	p5 =	por p4, p0;
	[sflag:s17] =	ssyncset.done @!p0 $0x0  }
0x103: {  	p4 =	sle.u32 s7, $0x1;
	s19 =	simm.s32 @!p2 $0x6;
	[sflag:s17] =	ssyncadd.s32 @!p0 $0xFFFFC000  }
0x104: {  	s24 =	simm.s32 @!p5 $0x0;
	p6 =	sle.u32 @!p4 s23, $0x0;
	_ =	swait.ge @!p2 [sflag:s19], $0x4000  }
0x105: {  	s21 =	simm.s32 @!p0 $0x13880;
	s25 =	simm.s32 @!p4 $0x2;
	[sflag:s19] =	ssyncset.done @!p2 $0x0  }
0x106: {  	s17 =	simm.s32 @!p0 $0x80;
	s30 =	rddreg [dreg:$0x18];
	[sflag:s19] =	ssyncadd.s32 @!p2 $0xFFFFC000  }
0x107: {  	[spmem:s1] =	stream.indirect.scatter.add.f32 @!p0 [tilespmem:s21], [sflag:$0x4], $0x80, s20, s17, $0xb8;
	[tilespmem:$0x1FA00] =	vst v63  }
0x108: {  	s29 =	rddreg [dreg:$0x17];
	s19 =	simm.s32 $0x3;
	s17 =	simm.s32 @!p5 $0x1F980  }
0x109: {  	[tilespmem:s17], [sflag:$0x3] =	stream.linear.gather @!p5 [hbm4b:s30+s24], $0x80, $0x38;
	[tilespmem:$0x1FA00] =	vst v63  }
0x10a: {  	s20 =	sadd.s32 $0x300, s30;
	s21 =	sadd.s32 $0x18000, s29;
	s17 =	simm.s32 @!p5 $0x1B880  }
.LBB2_3:
0x10b: {  	[tilespmem:s17], [sflag:$0x3] =	stream.linear.gather @!p5 [hbm4b:s29+s24], $0x4000, $0x38;
	[tilespmem:$0x1FA00] =	vst v63  }
0x10c: {  	_ =	swait.ge @!p4 [sflag:s25], $0x80  }
0x10d: {  	[sflag:s25] =	ssyncset.done @!p4 $0x0  }
0x10e: {  	[sflag:s25] =	ssyncadd.s32 @!p4 $0xFFFFFF80  }
0x10f: {  	_ =	swait.ge @!p4 [sflag:s25], $0x4000  }
0x110: {  	[sflag:s25] =	ssyncset.done @!p4 $0x0  }
0x111: {  	s17 =	simm.s32 @!p4 $0x4;
	[sflag:s25] =	ssyncadd.s32 @!p4 $0xFFFFC000  }
0x112: {  	s9 =	sadd.s32 $0x2, s13;
	_ =	swait.ge @!p4 [sflag:s17], $0x4000  }
0x113: {  	s18 =	simm.s32 @!p4 $0x17880;
	p5 =	por p6, p4;
	[sflag:s17] =	ssyncset.done @!p4 $0x0  }
0x114: {  	s6 =	simm.s32 @!p4 $0x1F900;
	[sflag:s17] =	ssyncadd.s32 @!p4 $0xFFFFC000;
	s17 =	simm.s32 @!p4 $0x80  }
0x115: {  	[spmem:s1] =	stream.indirect.scatter.add.f32 @!p4 [tilespmem:s18], [sflag:$0x5], $0x80, s6, s17, $0xb8;
	[tilespmem:$0x1FA00] =	vst v63  }
0x116: {  	s6 =	sadd.s32 @!p5 $0x100, s30;
	s17 =	simm.s32 @!p5 $0x0;
	s18 =	simm.s32 @!p5 $0x1F880  }
0x117: {  	[tilespmem:s18], [sflag:$0x1] =	stream.linear.gather @!p5 [hbm4b:s6+s17], $0x80, $0x38;
	[tilespmem:$0x1FA00] =	vst v63  }
0x118: {  	p2 =	sge.u32 s9, s7;
	s6 =	sadd.s32 @!p5 $0x8000, s29;
	s18 =	simm.s32 @!p5 $0x13880  }
0x119: {  	[tilespmem:s18], [sflag:$0x1] =	stream.linear.gather @!p5 [hbm4b:s6+s17], $0x4000, $0x38;
	[tilespmem:$0x1FA00] =	vst v63  }
0x11a: {  	s6 =	simm.s32 @!p2 $0x3  }
0x11b: {  	_ =	swait.ge @!p2 [sflag:s6], $0x80  }
0x11c: {  	[sflag:s6] =	ssyncset.done @!p2 $0x0  }
0x11d: {  	[sflag:s6] =	ssyncadd.s32 @!p2 $0xFFFFFF80  }
0x11e: {  	_ =	swait.ge @!p2 [sflag:s6], $0x4000  }
0x11f: {  	s24 =	smov.u32 s19;
	[sflag:s6] =	ssyncset.done @!p2 $0x0  }
0x120: {  	p4 =	sge.u32 s24, s7;
	[sflag:s6] =	ssyncadd.s32 @!p2 $0xFFFFC000;
	s6 =	simm.s32 @!p2 $0x5  }
0x121: {  	s25 =	simm.s32 @!p2 $0x1F980;
	p6 =	sge.u32 @!p4 s24, s22;
	_ =	swait.ge @!p2 [sflag:s6], $0x4000  }
0x122: {  	s17 =	simm.s32 @!p2 $0x1B880;
	[sflag:s6] =	ssyncset.done @!p2 $0x0;
	s18 =	rddreg [dreg:$0x5]  }
0x123: {  	[sflag:s6] =	ssyncadd.s32 @!p2 $0xFFFFC000;
	s6 =	simm.s32 @!p2 $0x80;
	p3 =	sge.u32 @!p2 s13, s18  }
0x124: {  	[spmem:s1] =	stream.indirect.scatter.add.f32 @!p2 [tilespmem:s17], [sflag:$0x6], $0x80, s25, s6, $0xb8;
	[tilespmem:$0x1FA00] =	vst v63  }
0x125: {  	p5 =	seq.s32 @!p4 s24, $0x0;
	s13 =	smov.u32 s24;
	p2 =	por p3, p2  }
0x126: {  	s6 =	sadd.s32 @!p2 $0x200, s30;
	s17 =	simm.s32 @!p2 $0x0;
	s18 =	simm.s32 @!p2 $0x1F900  }
0x127: {  	[tilespmem:s18], [sflag:$0x2] =	stream.linear.gather @!p2 [hbm4b:s6+s17], $0x80, $0x38;
	[tilespmem:$0x1FA00] =	vst v63  }
0x128: {  	s24 =	simm.s32 @!p4 $0x1;
	s25 =	simm.s32 @!p2 $0x17880;
	s29 =	sadd.s32 @!p2 $0x10000, s29  }
0x129: {  	[tilespmem:s25], [sflag:$0x2] =	stream.linear.gather @!p2 [hbm4b:s29+s17], $0x4000, $0x38;
	[tilespmem:$0x1FA00] =	vst v63  }
0x12a: {  	_ =	swait.ge @!p4 [sflag:s24], $0x80  }
0x12b: {  	s19 =	sadd.s32 $0x3, s19;
	[sflag:s24] =	ssyncset.done @!p4 $0x0  }
0x12c: {  	p0 =	sne.s32 s19, $0x9F;
	[sflag:s24] =	ssyncadd.s32 @!p4 $0xFFFFFF80  }
0x12d: {  	s8 =	sadd.s32 $0x1, s13;
	s30 =	smov.u32 s20;
	_ =	swait.ge @!p4 [sflag:s24], $0x4000  }
0x12e: {  	s20 =	sadd.s32 $0x300, s20;
	p2 =	por p5, p4;
	[sflag:s24] =	ssyncset.done @!p4 $0x0  }
0x12f: {  	s6 =	simm.s32 @!p4 $0x80;
	s17 =	simm.s32 @!p2 $0x6;
	[sflag:s24] =	ssyncadd.s32 @!p4 $0xFFFFC000  }
0x130: {  	s18 =	simm.s32 @!p4 $0x1F880;
	s29 =	smov.u32 s21;
	_ =	swait.ge @!p2 [sflag:s17], $0x4000  }
0x131: {  	s25 =	simm.s32 @!p4 $0x13880;
	p5 =	por p6, p4;
	[sflag:s17] =	ssyncset.done @!p2 $0x0  }
.Ltmp6:
0x132: {  	s21 =	sadd.s32 $0x18000, s21;
	[sflag:s17] =	ssyncadd.s32 @!p2 $0xFFFFC000;
	(pc) =	sbr.rel @p0 .LBB2_3-.Ltmp6, $4  }
0x133: {  	[spmem:s1] =	stream.indirect.scatter.add.f32 @!p4 [tilespmem:s25], [sflag:$0x4], $0x80, s18, s6, $0xb8;
	[tilespmem:$0x1FA00] =	vst v63  }
0x134: {  	s9 =	simm.s32 @!p5 $0x1F980;
	s24 =	simm.s32 @!p5 $0x0;
	p4 =	sge.u32 s8, s7  }
0x135: {  	s17 =	simm.s32 @!p5 $0x1B880;
	s25 =	simm.s32 @!p4 $0x2;
	p6 =	sge.u32 @!p4 s13, s23  }
0x136: {  	[tilespmem:s9], [sflag:$0x3] =	stream.linear.gather @!p5 [hbm4b:s30+s24], $0x80, $0x38;
	[tilespmem:$0x1FA00] =	vst v63  }
.Ltmp7:
0x137: {  	_ = 	snop;
	(pc) =	sbr.rel .LBB2_4-.Ltmp7, $1  }
0x138: {  	_ =	sdelay $0x3  }
.LBB2_11:
0x139: {  	_ =	sfence.sel $0x180000  }
0x13a: {  	[bflag:$0x0] =	sbarrier.arrive $0xFFFF  }
0x13b: {  	_ =	strace $0x90000047  }
0x13c: {  	s0 =	stileid.u32;
	[bflag:$0x2] =	sbarrier.arrive $0xFFFF  }
0x13d: {  	p0 =	sne.s32 s0, $0x0;
	s0 =	rddreg [dreg:$0x4]  }
0x13e: {  	s0 =	sadd.s32 @!p0 $0x100000, s0  }
0x13f: {  	[sflag:s0] =	ssyncadd.tile.s32 @!p0 $0x1;
	_ =	shalt  }
.Lfunc_end2:
_tile_overlayer_lowered:
.L_overlay_start_2:
0x140: {  	(tag) =	ssettag $0x2  }
0x141: {  	s0 =	rddreg [dreg:$0x0];
	s2 =	stileid.u32  }
0x142: {  	s1 =	rddreg [dreg:$0x1];
	p0 =	sne.s32 s2, $0x0  }
0x143: {  	s3 =	rddreg [dreg:$0x2];
	[bflag:$0x3] =	sbarrier.arrive $0xFFFF;
	s2 =	simm.s32 @!p0 $0x1C07  }
0x144: {  	[timem:s3], [sflag:s2] =	dma.local @!p0 [hbm:s0], s1  }
0x145: {  	s0 =	simm.s32 @!p0 $0x7  }
0x146: {  	_ =	swait.ge @!p0 [sflag:s0], s1  }
0x147: {  	s1 =	ssub.s32 @!p0 $0x0, s1;
	[sflag:s0] =	ssyncset.done @!p0 $0x0  }
0x148: {  	[sflag:s0] =	ssyncadd.s32 @!p0 s1  }
0x149: {  	[bflag:$0x3] =	sbarrier.arrive $0xFFFF  }
0x14a: {  	_ =	shalt  }

</sc_bundles>
